<compile_context>
chip_gen: v7x
topology: tpu7x:2x2x1
jax: 0.10.2.dev20260603
libtpu: 0.0.44.dev20260713+nightly
codegen_flags: <defaults>
</compile_context>

<pallas_src>
import functools

import jax
import jax.numpy as jnp
import numpy as np
from jax import lax
from jax.experimental import pallas as pl
from jax.experimental.pallas import tpu as pltpu
from jax.experimental.pallas import tpu_sc as plsc

_LANES = 16


def _positional_encoding_np(d_model, seq_len=1000):
    position = np.arange(seq_len, dtype=np.float32).reshape(-1, 1)
    i = np.arange(d_model) // 2
    exp_term = (2.0 * i.astype(np.float32) / d_model).astype(np.float32)
    div_term = np.power(np.float32(10000.0), exp_term).reshape(1, -1)
    pe = (position / div_term).astype(np.float32)
    pe[:, 0::2] = np.sin(pe[:, 0::2])
    pe[:, 1::2] = np.cos(pe[:, 1::2])
    return pe


@functools.partial(jax.jit, static_argnames=("B", "S", "R", "D"))
def _run(data_flat, idx_flat, pos, global_token, *, B, S, R, D):
    info = plsc.get_sparse_core_info()
    NC, NS = info.num_cores, info.num_subcores
    NW = NC * NS
    N = B * R
    assert N % NW == 0
    RW = N // NW
    assert R % RW == 0
    CH = _LANES
    NCH = RW // CH
    NB = 3
    assert NCH >= NB and D % _LANES == 0
    assert B % 8 == 0
    NV = D // _LANES
    NV_SHIFT = NV.bit_length() - 1
    assert (1 << NV_SHIFT) == NV

    mesh = plsc.VectorSubcoreMesh(core_axis_name="c", subcore_axis_name="s")

    def body(data_hbm, idx_hbm, pos_hbm, gt_hbm, out_hbm,
             idx_v,
             didx0, didx1, didx2, pidx0, pidx1, pidx2,
             oidx0, oidx1, oidx2,
             rows0, rows1, rows2, pos0, pos1, pos2,
             ga_v, gb_v,
             sd0, sd1, sd2, sp0, sp1, sp2, so0, so1, so2, sg):
        didx = (didx0, didx1, didx2)
        pidx = (pidx0, pidx1, pidx2)
        oidx = (oidx0, oidx1, oidx2)
        rows = (rows0, rows1, rows2)
        posb = (pos0, pos1, pos2)
        sd = (sd0, sd1, sd2)
        sp = (sp0, sp1, sp2)
        so = (so0, so1, so2)

        cid = lax.axis_index("c")
        sid = lax.axis_index("s")
        wid = sid * NC + cid
        base = wid * RW
        b = base // R
        r0 = base - b * R

        pltpu.sync_copy(idx_hbm.at[pl.ds(base, RW)], idx_v)

        def set_indices(p, ci):
            off = ci * CH
            v = idx_v[pl.ds(off, CH)]
            didx[p][...] = v + b * S
            pidx[p][...] = v + 1
            oidx[p][...] = (lax.iota(jnp.int32, _LANES)
                            + (r0 + off + 1)) * B + b

        def issue_gathers(p):
            pltpu.async_copy(data_hbm.at[didx[p]], rows[p], sd[p])
            pltpu.async_copy(pos_hbm.at[pidx[p]], posb[p], sp[p])

        @pl.when(wid == 0)
        def _():
            pltpu.sync_copy(pos_hbm.at[pl.ds(0, 1)], gb_v)
            pltpu.sync_copy(gt_hbm, ga_v.at[pl.ds(0, 1)])

            @plsc.parallel_loop(0, NV, unroll=8)
            def _(j):
                sl = pl.ds(j * _LANES, _LANES)
                ga_v[0, sl] = ga_v[0, sl] + gb_v[0, sl]

            @plsc.parallel_loop(0, (B - 1) * NV, unroll=8)
            def _(i):
                r = 1 + (i >> NV_SHIFT)
                sl = pl.ds((i & (NV - 1)) * _LANES, _LANES)
                ga_v[r, sl] = ga_v[0, sl]
            pltpu.async_copy(ga_v, out_hbm.at[pl.ds(0, B)], sg)

        set_indices(0, 0)
        issue_gathers(0)
        set_indices(1, 1)
        issue_gathers(1)

        for ci in range(NCH):
            p = ci % NB
            pltpu.make_async_copy(data_hbm.at[didx[p]], rows[p], sd[p]).wait()
            pltpu.make_async_copy(pos_hbm.at[pidx[p]], posb[p], sp[p]).wait()

            @plsc.parallel_loop(0, CH * NV, unroll=8)
            def _(i, p=p):
                r = i >> NV_SHIFT
                sl = pl.ds((i & (NV - 1)) * _LANES, _LANES)
                rows[p][r, sl] = rows[p][r, sl] + posb[p][r, sl]

            pltpu.async_copy(rows[p], out_hbm.at[oidx[p]], so[p])

            nxt = ci + NB - 1
            if nxt < NCH:
                q = nxt % NB
                if nxt >= NB:
                    pltpu.make_async_copy(
                        rows[q], out_hbm.at[oidx[q]], so[q]).wait()
                set_indices(q, nxt)
                issue_gathers(q)

        for m in range(NCH - NB, NCH):
            pltpu.make_async_copy(
                rows[m % NB], out_hbm.at[oidx[m % NB]], so[m % NB]).wait()

        @pl.when(wid == 0)
        def _():
            pltpu.make_async_copy(ga_v, out_hbm.at[pl.ds(0, B)], sg).wait()

    out_t_flat = pl.kernel(
        body,
        out_type=jax.ShapeDtypeStruct(((R + 1) * B, D), jnp.float32),
        mesh=mesh,
        scratch_types=[
            pltpu.VMEM((RW,), jnp.int32),
            pltpu.VMEM((CH,), jnp.int32),
            pltpu.VMEM((CH,), jnp.int32),
            pltpu.VMEM((CH,), jnp.int32),
            pltpu.VMEM((CH,), jnp.int32),
            pltpu.VMEM((CH,), jnp.int32),
            pltpu.VMEM((CH,), jnp.int32),
            pltpu.VMEM((CH,), jnp.int32),
            pltpu.VMEM((CH,), jnp.int32),
            pltpu.VMEM((CH,), jnp.int32),
            pltpu.VMEM((CH, D), jnp.float32),
            pltpu.VMEM((CH, D), jnp.float32),
            pltpu.VMEM((CH, D), jnp.float32),
            pltpu.VMEM((CH, D), jnp.float32),
            pltpu.VMEM((CH, D), jnp.float32),
            pltpu.VMEM((CH, D), jnp.float32),
            pltpu.VMEM((B, D), jnp.float32),
            pltpu.VMEM((1, D), jnp.float32),
            pltpu.SemaphoreType.DMA,
            pltpu.SemaphoreType.DMA,
            pltpu.SemaphoreType.DMA,
            pltpu.SemaphoreType.DMA,
            pltpu.SemaphoreType.DMA,
            pltpu.SemaphoreType.DMA,
            pltpu.SemaphoreType.DMA,
            pltpu.SemaphoreType.DMA,
            pltpu.SemaphoreType.DMA,
            pltpu.SemaphoreType.DMA,
        ],
    )(data_flat, idx_flat, pos, global_token)
    return out_t_flat


def _ridx_tc_kernel(idx_ref, out_ref):
    b = pl.program_id(0)
    row = idx_ref[b, :]
    out_ref[...] = jnp.broadcast_to(row[None, :, None], out_ref.shape)


@functools.partial(jax.jit, static_argnames=("D",))
def _ridx_run(remain_idx, *, D):
    B, R = remain_idx.shape
    return pl.pallas_call(
        _ridx_tc_kernel,
        grid=(B,),
        in_specs=[pl.BlockSpec((B, R), lambda b: (0, 0))],
        out_specs=pl.BlockSpec((1, R, D), lambda b: (b, 0, 0)),
        out_shape=jax.ShapeDtypeStruct((B, R, D), jnp.int32),
    )(remain_idx)


def kernel(data, remain_idx, global_token):
    B, S, D = data.shape
    R = remain_idx.shape[1]
    pos = jnp.asarray(_positional_encoding_np(D)[: S + 1, :])
    out_t_flat = _run(
        data.reshape(B * S, D),
        remain_idx.reshape(B * R),
        pos,
        global_token,
        B=B, S=S, R=R, D=D,
    )
    ridx = _ridx_run(remain_idx, D=D)
    out = out_t_flat.reshape(R + 1, B, D).transpose(1, 0, 2)
    return (out, ridx)

# --- scband reference (transcript-rebuilt; emitter-appended) ---
"""Pipeline reference for scband-temporal-remain-4715874091499 (READ-ONLY COPY).

The authoritative reference and input builder live on the scoring server;
editing this copy changes nothing except your own understanding.
"""

import jax, jax.numpy as jnp
import numpy as np


def get_positional_encoding(d_model, seq_len=1000):
    position = jnp.arange(seq_len, dtype=jnp.float32).reshape(-1, 1)
    i = jnp.arange(d_model) // 2
    exp_term = 2.0 * i.astype(jnp.float32) / d_model
    div_term = jnp.power(10000.0, exp_term).reshape(1, -1)
    pe = position / div_term
    pe = pe.at[:, 0::2].set(jnp.sin(pe[:, 0::2]))
    pe = pe.at[:, 1::2].set(jnp.cos(pe[:, 1::2]))
    return pe


def setup_inputs(seed: int = 0):
    key = jax.random.key(seed)
    k1, k2 = jax.random.split(key)
    B, S, R, d_model = 16, 512, 256, 1024
    data = jax.random.normal(k1, (B, S, d_model), dtype=jnp.float32)
    remain_idx = jax.random.randint(k2, (B, R), 0, S, dtype=jnp.int32)
    global_token = jnp.zeros((1, d_model), dtype=jnp.float32)
    return {"data": data, "remain_idx": remain_idx, "global_token": global_token}


def reference(data, remain_idx, global_token):
    B, S, d_model = data.shape
    R = remain_idx.shape[1]
    pos_enc = get_positional_encoding(d_model)[: S + 1, :]
    data = data + pos_enc[1:, :]
    ridx = jnp.broadcast_to(remain_idx[:, :, None], (B, R, d_model))
    data = jnp.take_along_axis(data, ridx, axis=1)
    g = jnp.broadcast_to(global_token[None, :, :], (B, 1, d_model)) + pos_enc[0, :]
    out = jnp.concatenate([g, data], axis=1)
    return (out, ridx)

if __name__ == "__main__":
    import jax
    _d = setup_inputs()
    print(jax.jit(kernel)(*tuple(_d.values())))

</pallas_src>

<mosaic_0001>
#map = affine_map<(d0, d1) -> (0, 0)>
#map1 = affine_map<(d0, d1) -> (0)>
module attributes {stable_mosaic.version = 14 : i64} {
  func.func @body(%arg0: i32, %arg1: i32, %arg2: memref<8192x1024xf32, #tpu.memory_space<hbm>>, %arg3: memref<4096xi32, #tpu.memory_space<hbm>>, %arg4: memref<513x1024xf32, #tpu.memory_space<hbm>>, %arg5: memref<1x1024xf32, #tpu.memory_space<hbm>>, %arg6: memref<4112x1024xf32, #tpu.memory_space<hbm>>, %arg7: memref<128xi32, #tpu.memory_space<vmem>>, %arg8: memref<16xi32, #tpu.memory_space<vmem>>, %arg9: memref<16xi32, #tpu.memory_space<vmem>>, %arg10: memref<16xi32, #tpu.memory_space<vmem>>, %arg11: memref<16xi32, #tpu.memory_space<vmem>>, %arg12: memref<16xi32, #tpu.memory_space<vmem>>, %arg13: memref<16xi32, #tpu.memory_space<vmem>>, %arg14: memref<16xi32, #tpu.memory_space<vmem>>, %arg15: memref<16xi32, #tpu.memory_space<vmem>>, %arg16: memref<16xi32, #tpu.memory_space<vmem>>, %arg17: memref<16x1024xf32, #tpu.memory_space<vmem>>, %arg18: memref<16x1024xf32, #tpu.memory_space<vmem>>, %arg19: memref<16x1024xf32, #tpu.memory_space<vmem>>, %arg20: memref<16x1024xf32, #tpu.memory_space<vmem>>, %arg21: memref<16x1024xf32, #tpu.memory_space<vmem>>, %arg22: memref<16x1024xf32, #tpu.memory_space<vmem>>, %arg23: memref<16x1024xf32, #tpu.memory_space<vmem>>, %arg24: memref<1x1024xf32, #tpu.memory_space<vmem>>, %arg25: memref<!tpu.dma_semaphore, #tpu.memory_space<semaphore_mem>>, %arg26: memref<!tpu.dma_semaphore, #tpu.memory_space<semaphore_mem>>, %arg27: memref<!tpu.dma_semaphore, #tpu.memory_space<semaphore_mem>>, %arg28: memref<!tpu.dma_semaphore, #tpu.memory_space<semaphore_mem>>, %arg29: memref<!tpu.dma_semaphore, #tpu.memory_space<semaphore_mem>>, %arg30: memref<!tpu.dma_semaphore, #tpu.memory_space<semaphore_mem>>, %arg31: memref<!tpu.dma_semaphore, #tpu.memory_space<semaphore_mem>>, %arg32: memref<!tpu.dma_semaphore, #tpu.memory_space<semaphore_mem>>, %arg33: memref<!tpu.dma_semaphore, #tpu.memory_space<semaphore_mem>>, %arg34: memref<!tpu.dma_semaphore, #tpu.memory_space<semaphore_mem>>) attributes {dimension_semantics = [#tpu.dimension_semantics<core_parallel>, #tpu.dimension_semantics<subcore_parallel>], iteration_bounds = array<i64: 2, 16>, scalar_prefetch = 0 : i64, scratch_operands = 28 : i64, tpu.core_type = #tpu.core_type<sc_vector_subcore>, window_params = [{transform_indices = #map}, {transform_indices = #map1}, {transform_indices = #map}, {transform_indices = #map}, {transform_indices = #map}]} {
    %mul3A = arith.constant 2 : i32
    %mul3A_0 = arith.muli %arg1, %mul3A : i32
    %add3A = arith.addi %mul3A_0, %arg0 : i32
    %mul3A_1 = arith.constant 128 : i32
    %mul3A_2 = arith.muli %add3A, %mul3A_1 : i32
    %jit3A = arith.constant 256 : i32
    %div3A = arith.divsi %mul3A_2, %jit3A : i32
    %sign3A = arith.constant 0 : i32
    %sign3A_3 = arith.cmpi sgt, %mul3A_2, %sign3A : i32
    %sign3A_4 = arith.extui %sign3A_3 : i1 to i32
    %sign3A_5 = arith.constant 0 : i32
    %sign3A_6 = arith.cmpi slt, %mul3A_2, %sign3A_5 : i32
    %sign3A_7 = arith.extui %sign3A_6 : i1 to i32
    %sign3A_8 = arith.subi %sign3A_4, %sign3A_7 : i32
    %sign3A_9 = arith.constant 0 : i32
    %sign3A_10 = arith.cmpi sgt, %jit3A, %sign3A_9 : i32
    %sign3A_11 = arith.extui %sign3A_10 : i1 to i32
    %sign3A_12 = arith.constant 0 : i32
    %sign3A_13 = arith.cmpi slt, %jit3A, %sign3A_12 : i32
    %sign3A_14 = arith.extui %sign3A_13 : i1 to i32
    %sign3A_15 = arith.subi %sign3A_11, %sign3A_14 : i32
    %ne3A = arith.cmpi ne, %sign3A_8, %sign3A_15 : i32
    %rem3A = arith.remsi %mul3A_2, %jit3A : i32
    %ne3A_16 = arith.constant 0 : i32
    %ne3A_17 = arith.cmpi ne, %rem3A, %ne3A_16 : i32
    %and3A = arith.andi %ne3A, %ne3A_17 : i1
    %sub3A = arith.constant 1 : i32
    %sub3A_18 = arith.subi %div3A, %sub3A : i32
    %select_n3A = arith.select %and3A, %sub3A_18, %div3A : i32
    %mul3A_19 = arith.constant 256 : i32
    %mul3A_20 = arith.muli %select_n3A, %mul3A_19 : i32
    %sub3A_21 = arith.subi %mul3A_2, %mul3A_20 : i32
    "tpu.region"() ({
      %run_scoped3A = tpu.sem_alloc : memref<!tpu.dma_semaphore, #tpu.memory_space<semaphore_mem>>
      %dma_start3A_463 = tpu.memref_slice %arg3[%mul3A_2] : memref<4096xi32, #tpu.memory_space<hbm>> -> memref<128xi32, #tpu.memory_space<hbm>>
      %dma_start3A_464 = tpu.memref_slice %arg3[%mul3A_2] : memref<4096xi32, #tpu.memory_space<hbm>> -> memref<128xi32, #tpu.memory_space<hbm>>
      tpu.enqueue_dma source(%dma_start3A_464 : memref<128xi32, #tpu.memory_space<hbm>>) target(%arg7 : memref<128xi32, #tpu.memory_space<vmem>>) target_semaphore(%run_scoped3A : memref<!tpu.dma_semaphore, #tpu.memory_space<semaphore_mem>>)
      %dma_wait3A_465 = tpu.memref_slice %arg3[%mul3A_2] : memref<4096xi32, #tpu.memory_space<hbm>> -> memref<128xi32, #tpu.memory_space<hbm>>
      %dma_wait3A_466 = tpu.memref_slice %arg3[%mul3A_2] : memref<4096xi32, #tpu.memory_space<hbm>> -> memref<128xi32, #tpu.memory_space<hbm>>
      tpu.wait_dma2 semaphore(%run_scoped3A : memref<!tpu.dma_semaphore, #tpu.memory_space<semaphore_mem>>) src(%dma_wait3A_466 : memref<128xi32, #tpu.memory_space<hbm>>) dst(%arg7 : memref<128xi32, #tpu.memory_space<vmem>>)
      tpu.yield
    }) : () -> ()
    %eq3A = arith.constant 0 : i32
    %eq3A_22 = arith.cmpi eq, %add3A, %eq3A : i32
    %convert_element_type3A = arith.extui %eq3A_22 : i1 to i32
    %cond3A = arith.constant 0 : i32
    %cond3A_23 = arith.cmpi ne, %convert_element_type3A, %cond3A : i32
    scf.if %cond3A_23 {
      "tpu.region"() ({
        %run_scoped3A = tpu.sem_alloc : memref<!tpu.dma_semaphore, #tpu.memory_space<semaphore_mem>>
        %dma_start3A_475 = arith.constant 0 : i32
        %dma_start3A_476 = arith.constant 0 : i32
        %dma_start3A_477 = tpu.memref_slice %arg4[%dma_start3A_475, %dma_start3A_476] : memref<513x1024xf32, #tpu.memory_space<hbm>> -> memref<1x1024xf32, #tpu.memory_space<hbm>>
        %dma_start3A_478 = arith.constant 0 : i32
        %dma_start3A_479 = arith.constant 0 : i32
        %dma_start3A_480 = tpu.memref_slice %arg4[%dma_start3A_478, %dma_start3A_479] : memref<513x1024xf32, #tpu.memory_space<hbm>> -> memref<1x1024xf32, #tpu.memory_space<hbm>>
        tpu.enqueue_dma source(%dma_start3A_480 : memref<1x1024xf32, #tpu.memory_space<hbm>>) target(%arg24 : memref<1x1024xf32, #tpu.memory_space<vmem>>) target_semaphore(%run_scoped3A : memref<!tpu.dma_semaphore, #tpu.memory_space<semaphore_mem>>)
        %dma_wait3A_481 = arith.constant 0 : i32
        %dma_wait3A_482 = arith.constant 0 : i32
        %dma_wait3A_483 = tpu.memref_slice %arg4[%dma_wait3A_481, %dma_wait3A_482] : memref<513x1024xf32, #tpu.memory_space<hbm>> -> memref<1x1024xf32, #tpu.memory_space<hbm>>
        %dma_wait3A_484 = arith.constant 0 : i32
        %dma_wait3A_485 = arith.constant 0 : i32
        %dma_wait3A_486 = tpu.memref_slice %arg4[%dma_wait3A_484, %dma_wait3A_485] : memref<513x1024xf32, #tpu.memory_space<hbm>> -> memref<1x1024xf32, #tpu.memory_space<hbm>>
        tpu.wait_dma2 semaphore(%run_scoped3A : memref<!tpu.dma_semaphore, #tpu.memory_space<semaphore_mem>>) src(%dma_wait3A_486 : memref<1x1024xf32, #tpu.memory_space<hbm>>) dst(%arg24 : memref<1x1024xf32, #tpu.memory_space<vmem>>)
        tpu.yield
      }) : () -> ()
      "tpu.region"() ({
        %run_scoped3A = tpu.sem_alloc : memref<!tpu.dma_semaphore, #tpu.memory_space<semaphore_mem>>
        %dma_start3A_475 = arith.constant 0 : i32
        %dma_start3A_476 = arith.constant 0 : i32
        %dma_start3A_477 = tpu.memref_slice %arg23[%dma_start3A_475, %dma_start3A_476] : memref<16x1024xf32, #tpu.memory_space<vmem>> -> memref<1x1024xf32, #tpu.memory_space<vmem>>
        %dma_start3A_478 = arith.constant 0 : i32
        %dma_start3A_479 = arith.constant 0 : i32
        %dma_start3A_480 = tpu.memref_slice %arg23[%dma_start3A_478, %dma_start3A_479] : memref<16x1024xf32, #tpu.memory_space<vmem>> -> memref<1x1024xf32, #tpu.memory_space<vmem>>
        tpu.enqueue_dma source(%arg5 : memref<1x1024xf32, #tpu.memory_space<hbm>>) target(%dma_start3A_480 : memref<1x1024xf32, #tpu.memory_space<vmem>>) target_semaphore(%run_scoped3A : memref<!tpu.dma_semaphore, #tpu.memory_space<semaphore_mem>>)
        %dma_wait3A_481 = arith.constant 0 : i32
        %dma_wait3A_482 = arith.constant 0 : i32
        %dma_wait3A_483 = tpu.memref_slice %arg23[%dma_wait3A_481, %dma_wait3A_482] : memref<16x1024xf32, #tpu.memory_space<vmem>> -> memref<1x1024xf32, #tpu.memory_space<vmem>>
        %dma_wait3A_484 = arith.constant 0 : i32
        %dma_wait3A_485 = arith.constant 0 : i32
        %dma_wait3A_486 = tpu.memref_slice %arg23[%dma_wait3A_484, %dma_wait3A_485] : memref<16x1024xf32, #tpu.memory_space<vmem>> -> memref<1x1024xf32, #tpu.memory_space<vmem>>
        tpu.wait_dma2 semaphore(%run_scoped3A : memref<!tpu.dma_semaphore, #tpu.memory_space<semaphore_mem>>) src(%arg5 : memref<1x1024xf32, #tpu.memory_space<hbm>>) dst(%dma_wait3A_486 : memref<1x1024xf32, #tpu.memory_space<vmem>>)
        tpu.yield
      }) : () -> ()
      %parallel_loop3A_463 = arith.constant 0 : i32
      %parallel_loop3A_464 = arith.constant 64 : i32
      %parallel_loop3A_465 = arith.constant 1 : i32
      scf.for %parallel_loop3A_475 = %parallel_loop3A_463 to %parallel_loop3A_464 step %parallel_loop3A_465  : i32 {
        %parallel_loop3A_476 = arith.constant 16 : i32
        %parallel_loop3A_477 = arith.muli %parallel_loop3A_475, %parallel_loop3A_476 : i32
        %parallel_loop3A_478 = arith.constant 0 : i32
        %parallel_loop3A_479 = arith.index_cast %parallel_loop3A_478 : i32 to index
        %parallel_loop3A_480 = arith.index_cast %parallel_loop3A_477 : i32 to index
        %parallel_loop3A_481 = tpu.vector_load %arg23[%parallel_loop3A_479, %parallel_loop3A_480] {strides = array<i32>} : memref<16x1024xf32, #tpu.memory_space<vmem>>, vector<1x16xf32>,
        %parallel_loop3A_482 = vector.shape_cast %parallel_loop3A_481 : vector<1x16xf32> to vector<16xf32>
        %parallel_loop3A_483 = arith.constant 0 : i32
        %parallel_loop3A_484 = arith.index_cast %parallel_loop3A_483 : i32 to index
        %parallel_loop3A_485 = arith.index_cast %parallel_loop3A_477 : i32 to index
        %parallel_loop3A_486 = tpu.vector_load %arg24[%parallel_loop3A_484, %parallel_loop3A_485] {strides = array<i32>} : memref<1x1024xf32, #tpu.memory_space<vmem>>, vector<1x16xf32>,
        %parallel_loop3A_487 = vector.shape_cast %parallel_loop3A_486 : vector<1x16xf32> to vector<16xf32>
        %parallel_loop3A_488 = arith.addf %parallel_loop3A_482, %parallel_loop3A_487 : vector<16xf32>
        %parallel_loop3A_489 = arith.constant 0 : i32
        %parallel_loop3A_490 = arith.index_cast %parallel_loop3A_489 : i32 to index
        %parallel_loop3A_491 = arith.index_cast %parallel_loop3A_477 : i32 to index
        %parallel_loop3A_492 = tpu.vector_load %arg23[%parallel_loop3A_490, %parallel_loop3A_491] {strides = array<i32>} : memref<16x1024xf32, #tpu.memory_space<vmem>>, vector<1x16xf32>,
        %parallel_loop3A_493 = vector.shape_cast %parallel_loop3A_492 : vector<1x16xf32> to vector<16xf32>
        %parallel_loop3A_494 = vector.shape_cast %parallel_loop3A_488 : vector<16xf32> to vector<1x16xf32>
        tpu.vector_store %arg23[%parallel_loop3A_490, %parallel_loop3A_491], %parallel_loop3A_494 {strides = array<i32>} : memref<16x1024xf32, #tpu.memory_space<vmem>>, vector<1x16xf32>,
      } {sc.loop_unroll_factor = 8 : i64, sc.parallel_access}
      %parallel_loop3A_466 = arith.constant 0 : i32
      %parallel_loop3A_467 = arith.constant 960 : i32
      %parallel_loop3A_468 = arith.constant 1 : i32
      scf.for %parallel_loop3A_475 = %parallel_loop3A_466 to %parallel_loop3A_467 step %parallel_loop3A_468  : i32 {
        %parallel_loop3A_476 = arith.constant 6 : i32
        %parallel_loop3A_477 = arith.shrsi %parallel_loop3A_475, %parallel_loop3A_476 : i32
        %parallel_loop3A_478 = arith.constant 1 : i32
        %parallel_loop3A_479 = arith.addi %parallel_loop3A_478, %parallel_loop3A_477 : i32
        %parallel_loop3A_480 = arith.constant 63 : i32
        %parallel_loop3A_481 = arith.andi %parallel_loop3A_475, %parallel_loop3A_480 : i32
        %parallel_loop3A_482 = arith.constant 16 : i32
        %parallel_loop3A_483 = arith.muli %parallel_loop3A_481, %parallel_loop3A_482 : i32
        %parallel_loop3A_484 = arith.constant 0 : i32
        %parallel_loop3A_485 = arith.index_cast %parallel_loop3A_484 : i32 to index
        %parallel_loop3A_486 = arith.index_cast %parallel_loop3A_483 : i32 to index
        %parallel_loop3A_487 = tpu.vector_load %arg23[%parallel_loop3A_485, %parallel_loop3A_486] {strides = array<i32>} : memref<16x1024xf32, #tpu.memory_space<vmem>>, vector<1x16xf32>,
        %parallel_loop3A_488 = vector.shape_cast %parallel_loop3A_487 : vector<1x16xf32> to vector<16xf32>
        %parallel_loop3A_489 = arith.index_cast %parallel_loop3A_479 : i32 to index
        %parallel_loop3A_490 = arith.index_cast %parallel_loop3A_483 : i32 to index
        %parallel_loop3A_491 = tpu.vector_load %arg23[%parallel_loop3A_489, %parallel_loop3A_490] {strides = array<i32>} : memref<16x1024xf32, #tpu.memory_space<vmem>>, vector<1x16xf32>,
        %parallel_loop3A_492 = vector.shape_cast %parallel_loop3A_491 : vector<1x16xf32> to vector<16xf32>
        %parallel_loop3A_493 = vector.shape_cast %parallel_loop3A_488 : vector<16xf32> to vector<1x16xf32>
        tpu.vector_store %arg23[%parallel_loop3A_489, %parallel_loop3A_490], %parallel_loop3A_493 {strides = array<i32>} : memref<16x1024xf32, #tpu.memory_space<vmem>>, vector<1x16xf32>,
      } {sc.loop_unroll_factor = 8 : i64, sc.parallel_access}
      %dma_start3A_469 = arith.constant 0 : i32
      %dma_start3A_470 = arith.constant 0 : i32
      %dma_start3A_471 = tpu.memref_slice %arg6[%dma_start3A_469, %dma_start3A_470] : memref<4112x1024xf32, #tpu.memory_space<hbm>> -> memref<16x1024xf32, #tpu.memory_space<hbm>>
      %dma_start3A_472 = arith.constant 0 : i32
      %dma_start3A_473 = arith.constant 0 : i32
      %dma_start3A_474 = tpu.memref_slice %arg6[%dma_start3A_472, %dma_start3A_473] : memref<4112x1024xf32, #tpu.memory_space<hbm>> -> memref<16x1024xf32, #tpu.memory_space<hbm>>
      tpu.enqueue_dma source(%arg23 : memref<16x1024xf32, #tpu.memory_space<vmem>>) target(%dma_start3A_474 : memref<16x1024xf32, #tpu.memory_space<hbm>>) target_semaphore(%arg34 : memref<!tpu.dma_semaphore, #tpu.memory_space<semaphore_mem>>)
    } else {
    }
    %get3A = arith.constant 0 : index
    %get3A_24 = tpu.vector_load %arg7[%get3A] {strides = array<i32>} : memref<128xi32, #tpu.memory_space<vmem>>, vector<16xi32>,
    %get3A_25 = vector.shape_cast %get3A_24 : vector<16xi32> to vector<16xi32>
    %mul3A_26 = arith.constant 512 : i32
    %mul3A_27 = arith.muli %select_n3A, %mul3A_26 : i32
    %add3A_28 = vector.broadcast %mul3A_27 : i32 to vector<16xi32>
    %add3A_29 = arith.addi %get3A_25, %add3A_28 : vector<16xi32>
    %swap3A = arith.constant 0 : index
    %swap3A_30 = tpu.vector_load %arg8[%swap3A] {strides = array<i32>} : memref<16xi32, #tpu.memory_space<vmem>>, vector<16xi32>,
    %swap3A_31 = vector.shape_cast %swap3A_30 : vector<16xi32> to vector<16xi32>
    %swap3A_32 = vector.shape_cast %add3A_29 : vector<16xi32> to vector<16xi32>
    tpu.vector_store %arg8[%swap3A], %swap3A_32 {strides = array<i32>} : memref<16xi32, #tpu.memory_space<vmem>>, vector<16xi32>,
    %add3A_33 = arith.constant 1 : i32
    %add3A_34 = vector.broadcast %add3A_33 : i32 to vector<16xi32>
    %add3A_35 = arith.addi %get3A_25, %add3A_34 : vector<16xi32>
    %swap3A_36 = arith.constant 0 : index
    %swap3A_37 = tpu.vector_load %arg11[%swap3A_36] {strides = array<i32>} : memref<16xi32, #tpu.memory_space<vmem>>, vector<16xi32>,
    %swap3A_38 = vector.shape_cast %swap3A_37 : vector<16xi32> to vector<16xi32>
    %swap3A_39 = vector.shape_cast %add3A_35 : vector<16xi32> to vector<16xi32>
    tpu.vector_store %arg11[%swap3A_36], %swap3A_39 {strides = array<i32>} : memref<16xi32, #tpu.memory_space<vmem>>, vector<16xi32>,
    %iota3A = tpu.iota {dimensions = array<i32: 0>} : vector<16xi32>
    %add3A_40 = arith.constant 0 : i32
    %add3A_41 = arith.addi %sub3A_21, %add3A_40 : i32
    %add3A_42 = arith.constant 1 : i32
    %add3A_43 = arith.addi %add3A_41, %add3A_42 : i32
    %add3A_44 = vector.broadcast %add3A_43 : i32 to vector<16xi32>
    %add3A_45 = arith.addi %iota3A, %add3A_44 : vector<16xi32>
    %mul3A_46 = arith.constant 16 : i32
    %mul3A_47 = vector.broadcast %mul3A_46 : i32 to vector<16xi32>
    %mul3A_48 = arith.muli %add3A_45, %mul3A_47 : vector<16xi32>
    %add3A_49 = vector.broadcast %select_n3A : i32 to vector<16xi32>
    %add3A_50 = arith.addi %mul3A_48, %add3A_49 : vector<16xi32>
    %swap3A_51 = arith.constant 0 : index
    %swap3A_52 = tpu.vector_load %arg14[%swap3A_51] {strides = array<i32>} : memref<16xi32, #tpu.memory_space<vmem>>, vector<16xi32>,
    %swap3A_53 = vector.shape_cast %swap3A_52 : vector<16xi32> to vector<16xi32>
    %swap3A_54 = vector.shape_cast %add3A_50 : vector<16xi32> to vector<16xi32>
    tpu.vector_store %arg14[%swap3A_51], %swap3A_54 {strides = array<i32>} : memref<16xi32, #tpu.memory_space<vmem>>, vector<16xi32>,
    %dma_start3A = arith.constant 0 : i32
    %dma_start3A_55 = arith.constant 0 : i32
    %dma_start3A_56 = tpu.memref_slice %arg2[%dma_start3A, %dma_start3A_55] : memref<8192x1024xf32, #tpu.memory_space<hbm>> -> memref<8192x1024xf32, #tpu.memory_space<hbm>>
    tpu.enqueue_indirect_dma source(%dma_start3A_56 : memref<8192x1024xf32, #tpu.memory_space<hbm>>) target(%arg17 : memref<16x1024xf32, #tpu.memory_space<vmem>>) offsets(%arg8 : memref<16xi32, #tpu.memory_space<vmem>>) semaphore(%arg25 : memref<!tpu.dma_semaphore, #tpu.memory_space<semaphore_mem>>)
    %dma_start3A_57 = arith.constant 0 : i32
    %dma_start3A_58 = arith.constant 0 : i32
    %dma_start3A_59 = tpu.memref_slice %arg4[%dma_start3A_57, %dma_start3A_58] : memref<513x1024xf32, #tpu.memory_space<hbm>> -> memref<513x1024xf32, #tpu.memory_space<hbm>>
    tpu.enqueue_indirect_dma source(%dma_start3A_59 : memref<513x1024xf32, #tpu.memory_space<hbm>>) target(%arg20 : memref<16x1024xf32, #tpu.memory_space<vmem>>) offsets(%arg11 : memref<16xi32, #tpu.memory_space<vmem>>) semaphore(%arg28 : memref<!tpu.dma_semaphore, #tpu.memory_space<semaphore_mem>>)
    %get3A_60 = arith.constant 16 : index
    %get3A_61 = tpu.vector_load %arg7[%get3A_60] {strides = array<i32>} : memref<128xi32, #tpu.memory_space<vmem>>, vector<16xi32>,
    %get3A_62 = vector.shape_cast %get3A_61 : vector<16xi32> to vector<16xi32>
    %mul3A_63 = arith.constant 512 : i32
    %mul3A_64 = arith.muli %select_n3A, %mul3A_63 : i32
    %add3A_65 = vector.broadcast %mul3A_64 : i32 to vector<16xi32>
    %add3A_66 = arith.addi %get3A_62, %add3A_65 : vector<16xi32>
    %swap3A_67 = arith.constant 0 : index
    %swap3A_68 = tpu.vector_load %arg9[%swap3A_67] {strides = array<i32>} : memref<16xi32, #tpu.memory_space<vmem>>, vector<16xi32>,
    %swap3A_69 = vector.shape_cast %swap3A_68 : vector<16xi32> to vector<16xi32>
    %swap3A_70 = vector.shape_cast %add3A_66 : vector<16xi32> to vector<16xi32>
    tpu.vector_store %arg9[%swap3A_67], %swap3A_70 {strides = array<i32>} : memref<16xi32, #tpu.memory_space<vmem>>, vector<16xi32>,
    %add3A_71 = arith.constant 1 : i32
    %add3A_72 = vector.broadcast %add3A_71 : i32 to vector<16xi32>
    %add3A_73 = arith.addi %get3A_62, %add3A_72 : vector<16xi32>
    %swap3A_74 = arith.constant 0 : index
    %swap3A_75 = tpu.vector_load %arg12[%swap3A_74] {strides = array<i32>} : memref<16xi32, #tpu.memory_space<vmem>>, vector<16xi32>,
    %swap3A_76 = vector.shape_cast %swap3A_75 : vector<16xi32> to vector<16xi32>
    %swap3A_77 = vector.shape_cast %add3A_73 : vector<16xi32> to vector<16xi32>
    tpu.vector_store %arg12[%swap3A_74], %swap3A_77 {strides = array<i32>} : memref<16xi32, #tpu.memory_space<vmem>>, vector<16xi32>,
    %iota3A_78 = tpu.iota {dimensions = array<i32: 0>} : vector<16xi32>
    %add3A_79 = arith.constant 16 : i32
    %add3A_80 = arith.addi %sub3A_21, %add3A_79 : i32
    %add3A_81 = arith.constant 1 : i32
    %add3A_82 = arith.addi %add3A_80, %add3A_81 : i32
    %add3A_83 = vector.broadcast %add3A_82 : i32 to vector<16xi32>
    %add3A_84 = arith.addi %iota3A_78, %add3A_83 : vector<16xi32>
    %mul3A_85 = arith.constant 16 : i32
    %mul3A_86 = vector.broadcast %mul3A_85 : i32 to vector<16xi32>
    %mul3A_87 = arith.muli %add3A_84, %mul3A_86 : vector<16xi32>
    %add3A_88 = vector.broadcast %select_n3A : i32 to vector<16xi32>
    %add3A_89 = arith.addi %mul3A_87, %add3A_88 : vector<16xi32>
    %swap3A_90 = arith.constant 0 : index
    %swap3A_91 = tpu.vector_load %arg15[%swap3A_90] {strides = array<i32>} : memref<16xi32, #tpu.memory_space<vmem>>, vector<16xi32>,
    %swap3A_92 = vector.shape_cast %swap3A_91 : vector<16xi32> to vector<16xi32>
    %swap3A_93 = vector.shape_cast %add3A_89 : vector<16xi32> to vector<16xi32>
    tpu.vector_store %arg15[%swap3A_90], %swap3A_93 {strides = array<i32>} : memref<16xi32, #tpu.memory_space<vmem>>, vector<16xi32>,
    %dma_start3A_94 = arith.constant 0 : i32
    %dma_start3A_95 = arith.constant 0 : i32
    %dma_start3A_96 = tpu.memref_slice %arg2[%dma_start3A_94, %dma_start3A_95] : memref<8192x1024xf32, #tpu.memory_space<hbm>> -> memref<8192x1024xf32, #tpu.memory_space<hbm>>
    tpu.enqueue_indirect_dma source(%dma_start3A_96 : memref<8192x1024xf32, #tpu.memory_space<hbm>>) target(%arg18 : memref<16x1024xf32, #tpu.memory_space<vmem>>) offsets(%arg9 : memref<16xi32, #tpu.memory_space<vmem>>) semaphore(%arg26 : memref<!tpu.dma_semaphore, #tpu.memory_space<semaphore_mem>>)
    %dma_start3A_97 = arith.constant 0 : i32
    %dma_start3A_98 = arith.constant 0 : i32
    %dma_start3A_99 = tpu.memref_slice %arg4[%dma_start3A_97, %dma_start3A_98] : memref<513x1024xf32, #tpu.memory_space<hbm>> -> memref<513x1024xf32, #tpu.memory_space<hbm>>
    tpu.enqueue_indirect_dma source(%dma_start3A_99 : memref<513x1024xf32, #tpu.memory_space<hbm>>) target(%arg21 : memref<16x1024xf32, #tpu.memory_space<vmem>>) offsets(%arg12 : memref<16xi32, #tpu.memory_space<vmem>>) semaphore(%arg29 : memref<!tpu.dma_semaphore, #tpu.memory_space<semaphore_mem>>)
    %dma_wait3A = arith.constant 0 : i32
    %dma_wait3A_100 = arith.constant 0 : i32
    %dma_wait3A_101 = tpu.memref_slice %arg2[%dma_wait3A, %dma_wait3A_100] : memref<8192x1024xf32, #tpu.memory_space<hbm>> -> memref<8192x1024xf32, #tpu.memory_space<hbm>>
    tpu.wait_indirect_dma semaphore(%arg25 : memref<!tpu.dma_semaphore, #tpu.memory_space<semaphore_mem>>) src(%dma_wait3A_101 : memref<8192x1024xf32, #tpu.memory_space<hbm>>) dst(%arg17 : memref<16x1024xf32, #tpu.memory_space<vmem>>)
    %dma_wait3A_102 = arith.constant 0 : i32
    %dma_wait3A_103 = arith.constant 0 : i32
    %dma_wait3A_104 = tpu.memref_slice %arg4[%dma_wait3A_102, %dma_wait3A_103] : memref<513x1024xf32, #tpu.memory_space<hbm>> -> memref<513x1024xf32, #tpu.memory_space<hbm>>
    tpu.wait_indirect_dma semaphore(%arg28 : memref<!tpu.dma_semaphore, #tpu.memory_space<semaphore_mem>>) src(%dma_wait3A_104 : memref<513x1024xf32, #tpu.memory_space<hbm>>) dst(%arg20 : memref<16x1024xf32, #tpu.memory_space<vmem>>)
    %parallel_loop3A = arith.constant 0 : i32
    %parallel_loop3A_105 = arith.constant 1024 : i32
    %parallel_loop3A_106 = arith.constant 1 : i32
    scf.for %parallel_loop3A_463 = %parallel_loop3A to %parallel_loop3A_105 step %parallel_loop3A_106  : i32 {
      %parallel_loop3A_464 = arith.constant 6 : i32
      %parallel_loop3A_465 = arith.shrsi %parallel_loop3A_463, %parallel_loop3A_464 : i32
      %parallel_loop3A_466 = arith.constant 63 : i32
      %parallel_loop3A_467 = arith.andi %parallel_loop3A_463, %parallel_loop3A_466 : i32
      %parallel_loop3A_468 = arith.constant 16 : i32
      %parallel_loop3A_469 = arith.muli %parallel_loop3A_467, %parallel_loop3A_468 : i32
      %parallel_loop3A_470 = arith.index_cast %parallel_loop3A_465 : i32 to index
      %parallel_loop3A_471 = arith.index_cast %parallel_loop3A_469 : i32 to index
      %parallel_loop3A_472 = tpu.vector_load %arg17[%parallel_loop3A_470, %parallel_loop3A_471] {strides = array<i32>} : memref<16x1024xf32, #tpu.memory_space<vmem>>, vector<1x16xf32>,
      %parallel_loop3A_473 = vector.shape_cast %parallel_loop3A_472 : vector<1x16xf32> to vector<16xf32>
      %parallel_loop3A_474 = arith.index_cast %parallel_loop3A_465 : i32 to index
      %parallel_loop3A_475 = arith.index_cast %parallel_loop3A_469 : i32 to index
      %parallel_loop3A_476 = tpu.vector_load %arg20[%parallel_loop3A_474, %parallel_loop3A_475] {strides = array<i32>} : memref<16x1024xf32, #tpu.memory_space<vmem>>, vector<1x16xf32>,
      %parallel_loop3A_477 = vector.shape_cast %parallel_loop3A_476 : vector<1x16xf32> to vector<16xf32>
      %parallel_loop3A_478 = arith.addf %parallel_loop3A_473, %parallel_loop3A_477 : vector<16xf32>
      %parallel_loop3A_479 = arith.index_cast %parallel_loop3A_465 : i32 to index
      %parallel_loop3A_480 = arith.index_cast %parallel_loop3A_469 : i32 to index
      %parallel_loop3A_481 = tpu.vector_load %arg17[%parallel_loop3A_479, %parallel_loop3A_480] {strides = array<i32>} : memref<16x1024xf32, #tpu.memory_space<vmem>>, vector<1x16xf32>,
      %parallel_loop3A_482 = vector.shape_cast %parallel_loop3A_481 : vector<1x16xf32> to vector<16xf32>
      %parallel_loop3A_483 = vector.shape_cast %parallel_loop3A_478 : vector<16xf32> to vector<1x16xf32>
      tpu.vector_store %arg17[%parallel_loop3A_479, %parallel_loop3A_480], %parallel_loop3A_483 {strides = array<i32>} : memref<16x1024xf32, #tpu.memory_space<vmem>>, vector<1x16xf32>,
    } {sc.loop_unroll_factor = 8 : i64, sc.parallel_access}
    %dma_start3A_107 = arith.constant 0 : i32
    %dma_start3A_108 = arith.constant 0 : i32
    %dma_start3A_109 = tpu.memref_slice %arg6[%dma_start3A_107, %dma_start3A_108] : memref<4112x1024xf32, #tpu.memory_space<hbm>> -> memref<4112x1024xf32, #tpu.memory_space<hbm>>
    tpu.enqueue_indirect_dma source(%arg17 : memref<16x1024xf32, #tpu.memory_space<vmem>>) target(%dma_start3A_109 : memref<4112x1024xf32, #tpu.memory_space<hbm>>) offsets(%arg14 : memref<16xi32, #tpu.memory_space<vmem>>) semaphore(%arg31 : memref<!tpu.dma_semaphore, #tpu.memory_space<semaphore_mem>>)
    %get3A_110 = arith.constant 32 : index
    %get3A_111 = tpu.vector_load %arg7[%get3A_110] {strides = array<i32>} : memref<128xi32, #tpu.memory_space<vmem>>, vector<16xi32>,
    %get3A_112 = vector.shape_cast %get3A_111 : vector<16xi32> to vector<16xi32>
    %mul3A_113 = arith.constant 512 : i32
    %mul3A_114 = arith.muli %select_n3A, %mul3A_113 : i32
    %add3A_115 = vector.broadcast %mul3A_114 : i32 to vector<16xi32>
    %add3A_116 = arith.addi %get3A_112, %add3A_115 : vector<16xi32>
    %swap3A_117 = arith.constant 0 : index
    %swap3A_118 = tpu.vector_load %arg10[%swap3A_117] {strides = array<i32>} : memref<16xi32, #tpu.memory_space<vmem>>, vector<16xi32>,
    %swap3A_119 = vector.shape_cast %swap3A_118 : vector<16xi32> to vector<16xi32>
    %swap3A_120 = vector.shape_cast %add3A_116 : vector<16xi32> to vector<16xi32>
    tpu.vector_store %arg10[%swap3A_117], %swap3A_120 {strides = array<i32>} : memref<16xi32, #tpu.memory_space<vmem>>, vector<16xi32>,
    %add3A_121 = arith.constant 1 : i32
    %add3A_122 = vector.broadcast %add3A_121 : i32 to vector<16xi32>
    %add3A_123 = arith.addi %get3A_112, %add3A_122 : vector<16xi32>
    %swap3A_124 = arith.constant 0 : index
    %swap3A_125 = tpu.vector_load %arg13[%swap3A_124] {strides = array<i32>} : memref<16xi32, #tpu.memory_space<vmem>>, vector<16xi32>,
    %swap3A_126 = vector.shape_cast %swap3A_125 : vector<16xi32> to vector<16xi32>
    %swap3A_127 = vector.shape_cast %add3A_123 : vector<16xi32> to vector<16xi32>
    tpu.vector_store %arg13[%swap3A_124], %swap3A_127 {strides = array<i32>} : memref<16xi32, #tpu.memory_space<vmem>>, vector<16xi32>,
    %iota3A_128 = tpu.iota {dimensions = array<i32: 0>} : vector<16xi32>
    %add3A_129 = arith.constant 32 : i32
    %add3A_130 = arith.addi %sub3A_21, %add3A_129 : i32
    %add3A_131 = arith.constant 1 : i32
    %add3A_132 = arith.addi %add3A_130, %add3A_131 : i32
    %add3A_133 = vector.broadcast %add3A_132 : i32 to vector<16xi32>
    %add3A_134 = arith.addi %iota3A_128, %add3A_133 : vector<16xi32>
    %mul3A_135 = arith.constant 16 : i32
    %mul3A_136 = vector.broadcast %mul3A_135 : i32 to vector<16xi32>
    %mul3A_137 = arith.muli %add3A_134, %mul3A_136 : vector<16xi32>
    %add3A_138 = vector.broadcast %select_n3A : i32 to vector<16xi32>
    %add3A_139 = arith.addi %mul3A_137, %add3A_138 : vector<16xi32>
    %swap3A_140 = arith.constant 0 : index
    %swap3A_141 = tpu.vector_load %arg16[%swap3A_140] {strides = array<i32>} : memref<16xi32, #tpu.memory_space<vmem>>, vector<16xi32>,
    %swap3A_142 = vector.shape_cast %swap3A_141 : vector<16xi32> to vector<16xi32>
    %swap3A_143 = vector.shape_cast %add3A_139 : vector<16xi32> to vector<16xi32>
    tpu.vector_store %arg16[%swap3A_140], %swap3A_143 {strides = array<i32>} : memref<16xi32, #tpu.memory_space<vmem>>, vector<16xi32>,
    %dma_start3A_144 = arith.constant 0 : i32
    %dma_start3A_145 = arith.constant 0 : i32
    %dma_start3A_146 = tpu.memref_slice %arg2[%dma_start3A_144, %dma_start3A_145] : memref<8192x1024xf32, #tpu.memory_space<hbm>> -> memref<8192x1024xf32, #tpu.memory_space<hbm>>
    tpu.enqueue_indirect_dma source(%dma_start3A_146 : memref<8192x1024xf32, #tpu.memory_space<hbm>>) target(%arg19 : memref<16x1024xf32, #tpu.memory_space<vmem>>) offsets(%arg10 : memref<16xi32, #tpu.memory_space<vmem>>) semaphore(%arg27 : memref<!tpu.dma_semaphore, #tpu.memory_space<semaphore_mem>>)
    %dma_start3A_147 = arith.constant 0 : i32
    %dma_start3A_148 = arith.constant 0 : i32
    %dma_start3A_149 = tpu.memref_slice %arg4[%dma_start3A_147, %dma_start3A_148] : memref<513x1024xf32, #tpu.memory_space<hbm>> -> memref<513x1024xf32, #tpu.memory_space<hbm>>
    tpu.enqueue_indirect_dma source(%dma_start3A_149 : memref<513x1024xf32, #tpu.memory_space<hbm>>) target(%arg22 : memref<16x1024xf32, #tpu.memory_space<vmem>>) offsets(%arg13 : memref<16xi32, #tpu.memory_space<vmem>>) semaphore(%arg30 : memref<!tpu.dma_semaphore, #tpu.memory_space<semaphore_mem>>)
    %dma_wait3A_150 = arith.constant 0 : i32
    %dma_wait3A_151 = arith.constant 0 : i32
    %dma_wait3A_152 = tpu.memref_slice %arg2[%dma_wait3A_150, %dma_wait3A_151] : memref<8192x1024xf32, #tpu.memory_space<hbm>> -> memref<8192x1024xf32, #tpu.memory_space<hbm>>
    tpu.wait_indirect_dma semaphore(%arg26 : memref<!tpu.dma_semaphore, #tpu.memory_space<semaphore_mem>>) src(%dma_wait3A_152 : memref<8192x1024xf32, #tpu.memory_space<hbm>>) dst(%arg18 : memref<16x1024xf32, #tpu.memory_space<vmem>>)
    %dma_wait3A_153 = arith.constant 0 : i32
    %dma_wait3A_154 = arith.constant 0 : i32
    %dma_wait3A_155 = tpu.memref_slice %arg4[%dma_wait3A_153, %dma_wait3A_154] : memref<513x1024xf32, #tpu.memory_space<hbm>> -> memref<513x1024xf32, #tpu.memory_space<hbm>>
    tpu.wait_indirect_dma semaphore(%arg29 : memref<!tpu.dma_semaphore, #tpu.memory_space<semaphore_mem>>) src(%dma_wait3A_155 : memref<513x1024xf32, #tpu.memory_space<hbm>>) dst(%arg21 : memref<16x1024xf32, #tpu.memory_space<vmem>>)
    %parallel_loop3A_156 = arith.constant 0 : i32
    %parallel_loop3A_157 = arith.constant 1024 : i32
    %parallel_loop3A_158 = arith.constant 1 : i32
    scf.for %parallel_loop3A_463 = %parallel_loop3A_156 to %parallel_loop3A_157 step %parallel_loop3A_158  : i32 {
      %parallel_loop3A_464 = arith.constant 6 : i32
      %parallel_loop3A_465 = arith.shrsi %parallel_loop3A_463, %parallel_loop3A_464 : i32
      %parallel_loop3A_466 = arith.constant 63 : i32
      %parallel_loop3A_467 = arith.andi %parallel_loop3A_463, %parallel_loop3A_466 : i32
      %parallel_loop3A_468 = arith.constant 16 : i32
      %parallel_loop3A_469 = arith.muli %parallel_loop3A_467, %parallel_loop3A_468 : i32
      %parallel_loop3A_470 = arith.index_cast %parallel_loop3A_465 : i32 to index
      %parallel_loop3A_471 = arith.index_cast %parallel_loop3A_469 : i32 to index
      %parallel_loop3A_472 = tpu.vector_load %arg18[%parallel_loop3A_470, %parallel_loop3A_471] {strides = array<i32>} : memref<16x1024xf32, #tpu.memory_space<vmem>>, vector<1x16xf32>,
      %parallel_loop3A_473 = vector.shape_cast %parallel_loop3A_472 : vector<1x16xf32> to vector<16xf32>
      %parallel_loop3A_474 = arith.index_cast %parallel_loop3A_465 : i32 to index
      %parallel_loop3A_475 = arith.index_cast %parallel_loop3A_469 : i32 to index
      %parallel_loop3A_476 = tpu.vector_load %arg21[%parallel_loop3A_474, %parallel_loop3A_475] {strides = array<i32>} : memref<16x1024xf32, #tpu.memory_space<vmem>>, vector<1x16xf32>,
      %parallel_loop3A_477 = vector.shape_cast %parallel_loop3A_476 : vector<1x16xf32> to vector<16xf32>
      %parallel_loop3A_478 = arith.addf %parallel_loop3A_473, %parallel_loop3A_477 : vector<16xf32>
      %parallel_loop3A_479 = arith.index_cast %parallel_loop3A_465 : i32 to index
      %parallel_loop3A_480 = arith.index_cast %parallel_loop3A_469 : i32 to index
      %parallel_loop3A_481 = tpu.vector_load %arg18[%parallel_loop3A_479, %parallel_loop3A_480] {strides = array<i32>} : memref<16x1024xf32, #tpu.memory_space<vmem>>, vector<1x16xf32>,
      %parallel_loop3A_482 = vector.shape_cast %parallel_loop3A_481 : vector<1x16xf32> to vector<16xf32>
      %parallel_loop3A_483 = vector.shape_cast %parallel_loop3A_478 : vector<16xf32> to vector<1x16xf32>
      tpu.vector_store %arg18[%parallel_loop3A_479, %parallel_loop3A_480], %parallel_loop3A_483 {strides = array<i32>} : memref<16x1024xf32, #tpu.memory_space<vmem>>, vector<1x16xf32>,
    } {sc.loop_unroll_factor = 8 : i64, sc.parallel_access}
    %dma_start3A_159 = arith.constant 0 : i32
    %dma_start3A_160 = arith.constant 0 : i32
    %dma_start3A_161 = tpu.memref_slice %arg6[%dma_start3A_159, %dma_start3A_160] : memref<4112x1024xf32, #tpu.memory_space<hbm>> -> memref<4112x1024xf32, #tpu.memory_space<hbm>>
    tpu.enqueue_indirect_dma source(%arg18 : memref<16x1024xf32, #tpu.memory_space<vmem>>) target(%dma_start3A_161 : memref<4112x1024xf32, #tpu.memory_space<hbm>>) offsets(%arg15 : memref<16xi32, #tpu.memory_space<vmem>>) semaphore(%arg32 : memref<!tpu.dma_semaphore, #tpu.memory_space<semaphore_mem>>)
    %dma_wait3A_162 = arith.constant 0 : i32
    %dma_wait3A_163 = arith.constant 0 : i32
    %dma_wait3A_164 = tpu.memref_slice %arg6[%dma_wait3A_162, %dma_wait3A_163] : memref<4112x1024xf32, #tpu.memory_space<hbm>> -> memref<4112x1024xf32, #tpu.memory_space<hbm>>
    tpu.wait_indirect_dma semaphore(%arg31 : memref<!tpu.dma_semaphore, #tpu.memory_space<semaphore_mem>>) src(%arg17 : memref<16x1024xf32, #tpu.memory_space<vmem>>) dst(%dma_wait3A_164 : memref<4112x1024xf32, #tpu.memory_space<hbm>>)
    %get3A_165 = arith.constant 48 : index
    %get3A_166 = tpu.vector_load %arg7[%get3A_165] {strides = array<i32>} : memref<128xi32, #tpu.memory_space<vmem>>, vector<16xi32>,
    %get3A_167 = vector.shape_cast %get3A_166 : vector<16xi32> to vector<16xi32>
    %mul3A_168 = arith.constant 512 : i32
    %mul3A_169 = arith.muli %select_n3A, %mul3A_168 : i32
    %add3A_170 = vector.broadcast %mul3A_169 : i32 to vector<16xi32>
    %add3A_171 = arith.addi %get3A_167, %add3A_170 : vector<16xi32>
    %swap3A_172 = arith.constant 0 : index
    %swap3A_173 = tpu.vector_load %arg8[%swap3A_172] {strides = array<i32>} : memref<16xi32, #tpu.memory_space<vmem>>, vector<16xi32>,
    %swap3A_174 = vector.shape_cast %swap3A_173 : vector<16xi32> to vector<16xi32>
    %swap3A_175 = vector.shape_cast %add3A_171 : vector<16xi32> to vector<16xi32>
    tpu.vector_store %arg8[%swap3A_172], %swap3A_175 {strides = array<i32>} : memref<16xi32, #tpu.memory_space<vmem>>, vector<16xi32>,
    %add3A_176 = arith.constant 1 : i32
    %add3A_177 = vector.broadcast %add3A_176 : i32 to vector<16xi32>
    %add3A_178 = arith.addi %get3A_167, %add3A_177 : vector<16xi32>
    %swap3A_179 = arith.constant 0 : index
    %swap3A_180 = tpu.vector_load %arg11[%swap3A_179] {strides = array<i32>} : memref<16xi32, #tpu.memory_space<vmem>>, vector<16xi32>,
    %swap3A_181 = vector.shape_cast %swap3A_180 : vector<16xi32> to vector<16xi32>
    %swap3A_182 = vector.shape_cast %add3A_178 : vector<16xi32> to vector<16xi32>
    tpu.vector_store %arg11[%swap3A_179], %swap3A_182 {strides = array<i32>} : memref<16xi32, #tpu.memory_space<vmem>>, vector<16xi32>,
    %iota3A_183 = tpu.iota {dimensions = array<i32: 0>} : vector<16xi32>
    %add3A_184 = arith.constant 48 : i32
    %add3A_185 = arith.addi %sub3A_21, %add3A_184 : i32
    %add3A_186 = arith.constant 1 : i32
    %add3A_187 = arith.addi %add3A_185, %add3A_186 : i32
    %add3A_188 = vector.broadcast %add3A_187 : i32 to vector<16xi32>
    %add3A_189 = arith.addi %iota3A_183, %add3A_188 : vector<16xi32>
    %mul3A_190 = arith.constant 16 : i32
    %mul3A_191 = vector.broadcast %mul3A_190 : i32 to vector<16xi32>
    %mul3A_192 = arith.muli %add3A_189, %mul3A_191 : vector<16xi32>
    %add3A_193 = vector.broadcast %select_n3A : i32 to vector<16xi32>
    %add3A_194 = arith.addi %mul3A_192, %add3A_193 : vector<16xi32>
    %swap3A_195 = arith.constant 0 : index
    %swap3A_196 = tpu.vector_load %arg14[%swap3A_195] {strides = array<i32>} : memref<16xi32, #tpu.memory_space<vmem>>, vector<16xi32>,
    %swap3A_197 = vector.shape_cast %swap3A_196 : vector<16xi32> to vector<16xi32>
    %swap3A_198 = vector.shape_cast %add3A_194 : vector<16xi32> to vector<16xi32>
    tpu.vector_store %arg14[%swap3A_195], %swap3A_198 {strides = array<i32>} : memref<16xi32, #tpu.memory_space<vmem>>, vector<16xi32>,
    %dma_start3A_199 = arith.constant 0 : i32
    %dma_start3A_200 = arith.constant 0 : i32
    %dma_start3A_201 = tpu.memref_slice %arg2[%dma_start3A_199, %dma_start3A_200] : memref<8192x1024xf32, #tpu.memory_space<hbm>> -> memref<8192x1024xf32, #tpu.memory_space<hbm>>
    tpu.enqueue_indirect_dma source(%dma_start3A_201 : memref<8192x1024xf32, #tpu.memory_space<hbm>>) target(%arg17 : memref<16x1024xf32, #tpu.memory_space<vmem>>) offsets(%arg8 : memref<16xi32, #tpu.memory_space<vmem>>) semaphore(%arg25 : memref<!tpu.dma_semaphore, #tpu.memory_space<semaphore_mem>>)
    %dma_start3A_202 = arith.constant 0 : i32
    %dma_start3A_203 = arith.constant 0 : i32
    %dma_start3A_204 = tpu.memref_slice %arg4[%dma_start3A_202, %dma_start3A_203] : memref<513x1024xf32, #tpu.memory_space<hbm>> -> memref<513x1024xf32, #tpu.memory_space<hbm>>
    tpu.enqueue_indirect_dma source(%dma_start3A_204 : memref<513x1024xf32, #tpu.memory_space<hbm>>) target(%arg20 : memref<16x1024xf32, #tpu.memory_space<vmem>>) offsets(%arg11 : memref<16xi32, #tpu.memory_space<vmem>>) semaphore(%arg28 : memref<!tpu.dma_semaphore, #tpu.memory_space<semaphore_mem>>)
    %dma_wait3A_205 = arith.constant 0 : i32
    %dma_wait3A_206 = arith.constant 0 : i32
    %dma_wait3A_207 = tpu.memref_slice %arg2[%dma_wait3A_205, %dma_wait3A_206] : memref<8192x1024xf32, #tpu.memory_space<hbm>> -> memref<8192x1024xf32, #tpu.memory_space<hbm>>
    tpu.wait_indirect_dma semaphore(%arg27 : memref<!tpu.dma_semaphore, #tpu.memory_space<semaphore_mem>>) src(%dma_wait3A_207 : memref<8192x1024xf32, #tpu.memory_space<hbm>>) dst(%arg19 : memref<16x1024xf32, #tpu.memory_space<vmem>>)
    %dma_wait3A_208 = arith.constant 0 : i32
    %dma_wait3A_209 = arith.constant 0 : i32
    %dma_wait3A_210 = tpu.memref_slice %arg4[%dma_wait3A_208, %dma_wait3A_209] : memref<513x1024xf32, #tpu.memory_space<hbm>> -> memref<513x1024xf32, #tpu.memory_space<hbm>>
    tpu.wait_indirect_dma semaphore(%arg30 : memref<!tpu.dma_semaphore, #tpu.memory_space<semaphore_mem>>) src(%dma_wait3A_210 : memref<513x1024xf32, #tpu.memory_space<hbm>>) dst(%arg22 : memref<16x1024xf32, #tpu.memory_space<vmem>>)
    %parallel_loop3A_211 = arith.constant 0 : i32
    %parallel_loop3A_212 = arith.constant 1024 : i32
    %parallel_loop3A_213 = arith.constant 1 : i32
    scf.for %parallel_loop3A_463 = %parallel_loop3A_211 to %parallel_loop3A_212 step %parallel_loop3A_213  : i32 {
      %parallel_loop3A_464 = arith.constant 6 : i32
      %parallel_loop3A_465 = arith.shrsi %parallel_loop3A_463, %parallel_loop3A_464 : i32
      %parallel_loop3A_466 = arith.constant 63 : i32
      %parallel_loop3A_467 = arith.andi %parallel_loop3A_463, %parallel_loop3A_466 : i32
      %parallel_loop3A_468 = arith.constant 16 : i32
      %parallel_loop3A_469 = arith.muli %parallel_loop3A_467, %parallel_loop3A_468 : i32
      %parallel_loop3A_470 = arith.index_cast %parallel_loop3A_465 : i32 to index
      %parallel_loop3A_471 = arith.index_cast %parallel_loop3A_469 : i32 to index
      %parallel_loop3A_472 = tpu.vector_load %arg19[%parallel_loop3A_470, %parallel_loop3A_471] {strides = array<i32>} : memref<16x1024xf32, #tpu.memory_space<vmem>>, vector<1x16xf32>,
      %parallel_loop3A_473 = vector.shape_cast %parallel_loop3A_472 : vector<1x16xf32> to vector<16xf32>
      %parallel_loop3A_474 = arith.index_cast %parallel_loop3A_465 : i32 to index
      %parallel_loop3A_475 = arith.index_cast %parallel_loop3A_469 : i32 to index
      %parallel_loop3A_476 = tpu.vector_load %arg22[%parallel_loop3A_474, %parallel_loop3A_475] {strides = array<i32>} : memref<16x1024xf32, #tpu.memory_space<vmem>>, vector<1x16xf32>,
      %parallel_loop3A_477 = vector.shape_cast %parallel_loop3A_476 : vector<1x16xf32> to vector<16xf32>
      %parallel_loop3A_478 = arith.addf %parallel_loop3A_473, %parallel_loop3A_477 : vector<16xf32>
      %parallel_loop3A_479 = arith.index_cast %parallel_loop3A_465 : i32 to index
      %parallel_loop3A_480 = arith.index_cast %parallel_loop3A_469 : i32 to index
      %parallel_loop3A_481 = tpu.vector_load %arg19[%parallel_loop3A_479, %parallel_loop3A_480] {strides = array<i32>} : memref<16x1024xf32, #tpu.memory_space<vmem>>, vector<1x16xf32>,
      %parallel_loop3A_482 = vector.shape_cast %parallel_loop3A_481 : vector<1x16xf32> to vector<16xf32>
      %parallel_loop3A_483 = vector.shape_cast %parallel_loop3A_478 : vector<16xf32> to vector<1x16xf32>
      tpu.vector_store %arg19[%parallel_loop3A_479, %parallel_loop3A_480], %parallel_loop3A_483 {strides = array<i32>} : memref<16x1024xf32, #tpu.memory_space<vmem>>, vector<1x16xf32>,
    } {sc.loop_unroll_factor = 8 : i64, sc.parallel_access}
    %dma_start3A_214 = arith.constant 0 : i32
    %dma_start3A_215 = arith.constant 0 : i32
    %dma_start3A_216 = tpu.memref_slice %arg6[%dma_start3A_214, %dma_start3A_215] : memref<4112x1024xf32, #tpu.memory_space<hbm>> -> memref<4112x1024xf32, #tpu.memory_space<hbm>>
    tpu.enqueue_indirect_dma source(%arg19 : memref<16x1024xf32, #tpu.memory_space<vmem>>) target(%dma_start3A_216 : memref<4112x1024xf32, #tpu.memory_space<hbm>>) offsets(%arg16 : memref<16xi32, #tpu.memory_space<vmem>>) semaphore(%arg33 : memref<!tpu.dma_semaphore, #tpu.memory_space<semaphore_mem>>)
    %dma_wait3A_217 = arith.constant 0 : i32
    %dma_wait3A_218 = arith.constant 0 : i32
    %dma_wait3A_219 = tpu.memref_slice %arg6[%dma_wait3A_217, %dma_wait3A_218] : memref<4112x1024xf32, #tpu.memory_space<hbm>> -> memref<4112x1024xf32, #tpu.memory_space<hbm>>
    tpu.wait_indirect_dma semaphore(%arg32 : memref<!tpu.dma_semaphore, #tpu.memory_space<semaphore_mem>>) src(%arg18 : memref<16x1024xf32, #tpu.memory_space<vmem>>) dst(%dma_wait3A_219 : memref<4112x1024xf32, #tpu.memory_space<hbm>>)
    %get3A_220 = arith.constant 64 : index
    %get3A_221 = tpu.vector_load %arg7[%get3A_220] {strides = array<i32>} : memref<128xi32, #tpu.memory_space<vmem>>, vector<16xi32>,
    %get3A_222 = vector.shape_cast %get3A_221 : vector<16xi32> to vector<16xi32>
    %mul3A_223 = arith.constant 512 : i32
    %mul3A_224 = arith.muli %select_n3A, %mul3A_223 : i32
    %add3A_225 = vector.broadcast %mul3A_224 : i32 to vector<16xi32>
    %add3A_226 = arith.addi %get3A_222, %add3A_225 : vector<16xi32>
    %swap3A_227 = arith.constant 0 : index
    %swap3A_228 = tpu.vector_load %arg9[%swap3A_227] {strides = array<i32>} : memref<16xi32, #tpu.memory_space<vmem>>, vector<16xi32>,
    %swap3A_229 = vector.shape_cast %swap3A_228 : vector<16xi32> to vector<16xi32>
    %swap3A_230 = vector.shape_cast %add3A_226 : vector<16xi32> to vector<16xi32>
    tpu.vector_store %arg9[%swap3A_227], %swap3A_230 {strides = array<i32>} : memref<16xi32, #tpu.memory_space<vmem>>, vector<16xi32>,
    %add3A_231 = arith.constant 1 : i32
    %add3A_232 = vector.broadcast %add3A_231 : i32 to vector<16xi32>
    %add3A_233 = arith.addi %get3A_222, %add3A_232 : vector<16xi32>
    %swap3A_234 = arith.constant 0 : index
    %swap3A_235 = tpu.vector_load %arg12[%swap3A_234] {strides = array<i32>} : memref<16xi32, #tpu.memory_space<vmem>>, vector<16xi32>,
    %swap3A_236 = vector.shape_cast %swap3A_235 : vector<16xi32> to vector<16xi32>
    %swap3A_237 = vector.shape_cast %add3A_233 : vector<16xi32> to vector<16xi32>
    tpu.vector_store %arg12[%swap3A_234], %swap3A_237 {strides = array<i32>} : memref<16xi32, #tpu.memory_space<vmem>>, vector<16xi32>,
    %iota3A_238 = tpu.iota {dimensions = array<i32: 0>} : vector<16xi32>
    %add3A_239 = arith.constant 64 : i32
    %add3A_240 = arith.addi %sub3A_21, %add3A_239 : i32
    %add3A_241 = arith.constant 1 : i32
    %add3A_242 = arith.addi %add3A_240, %add3A_241 : i32
    %add3A_243 = vector.broadcast %add3A_242 : i32 to vector<16xi32>
    %add3A_244 = arith.addi %iota3A_238, %add3A_243 : vector<16xi32>
    %mul3A_245 = arith.constant 16 : i32
    %mul3A_246 = vector.broadcast %mul3A_245 : i32 to vector<16xi32>
    %mul3A_247 = arith.muli %add3A_244, %mul3A_246 : vector<16xi32>
    %add3A_248 = vector.broadcast %select_n3A : i32 to vector<16xi32>
    %add3A_249 = arith.addi %mul3A_247, %add3A_248 : vector<16xi32>
    %swap3A_250 = arith.constant 0 : index
    %swap3A_251 = tpu.vector_load %arg15[%swap3A_250] {strides = array<i32>} : memref<16xi32, #tpu.memory_space<vmem>>, vector<16xi32>,
    %swap3A_252 = vector.shape_cast %swap3A_251 : vector<16xi32> to vector<16xi32>
    %swap3A_253 = vector.shape_cast %add3A_249 : vector<16xi32> to vector<16xi32>
    tpu.vector_store %arg15[%swap3A_250], %swap3A_253 {strides = array<i32>} : memref<16xi32, #tpu.memory_space<vmem>>, vector<16xi32>,
    %dma_start3A_254 = arith.constant 0 : i32
    %dma_start3A_255 = arith.constant 0 : i32
    %dma_start3A_256 = tpu.memref_slice %arg2[%dma_start3A_254, %dma_start3A_255] : memref<8192x1024xf32, #tpu.memory_space<hbm>> -> memref<8192x1024xf32, #tpu.memory_space<hbm>>
    tpu.enqueue_indirect_dma source(%dma_start3A_256 : memref<8192x1024xf32, #tpu.memory_space<hbm>>) target(%arg18 : memref<16x1024xf32, #tpu.memory_space<vmem>>) offsets(%arg9 : memref<16xi32, #tpu.memory_space<vmem>>) semaphore(%arg26 : memref<!tpu.dma_semaphore, #tpu.memory_space<semaphore_mem>>)
    %dma_start3A_257 = arith.constant 0 : i32
    %dma_start3A_258 = arith.constant 0 : i32
    %dma_start3A_259 = tpu.memref_slice %arg4[%dma_start3A_257, %dma_start3A_258] : memref<513x1024xf32, #tpu.memory_space<hbm>> -> memref<513x1024xf32, #tpu.memory_space<hbm>>
    tpu.enqueue_indirect_dma source(%dma_start3A_259 : memref<513x1024xf32, #tpu.memory_space<hbm>>) target(%arg21 : memref<16x1024xf32, #tpu.memory_space<vmem>>) offsets(%arg12 : memref<16xi32, #tpu.memory_space<vmem>>) semaphore(%arg29 : memref<!tpu.dma_semaphore, #tpu.memory_space<semaphore_mem>>)
    %dma_wait3A_260 = arith.constant 0 : i32
    %dma_wait3A_261 = arith.constant 0 : i32
    %dma_wait3A_262 = tpu.memref_slice %arg2[%dma_wait3A_260, %dma_wait3A_261] : memref<8192x1024xf32, #tpu.memory_space<hbm>> -> memref<8192x1024xf32, #tpu.memory_space<hbm>>
    tpu.wait_indirect_dma semaphore(%arg25 : memref<!tpu.dma_semaphore, #tpu.memory_space<semaphore_mem>>) src(%dma_wait3A_262 : memref<8192x1024xf32, #tpu.memory_space<hbm>>) dst(%arg17 : memref<16x1024xf32, #tpu.memory_space<vmem>>)
    %dma_wait3A_263 = arith.constant 0 : i32
    %dma_wait3A_264 = arith.constant 0 : i32
    %dma_wait3A_265 = tpu.memref_slice %arg4[%dma_wait3A_263, %dma_wait3A_264] : memref<513x1024xf32, #tpu.memory_space<hbm>> -> memref<513x1024xf32, #tpu.memory_space<hbm>>
    tpu.wait_indirect_dma semaphore(%arg28 : memref<!tpu.dma_semaphore, #tpu.memory_space<semaphore_mem>>) src(%dma_wait3A_265 : memref<513x1024xf32, #tpu.memory_space<hbm>>) dst(%arg20 : memref<16x1024xf32, #tpu.memory_space<vmem>>)
    %parallel_loop3A_266 = arith.constant 0 : i32
    %parallel_loop3A_267 = arith.constant 1024 : i32
    %parallel_loop3A_268 = arith.constant 1 : i32
    scf.for %parallel_loop3A_463 = %parallel_loop3A_266 to %parallel_loop3A_267 step %parallel_loop3A_268  : i32 {
      %parallel_loop3A_464 = arith.constant 6 : i32
      %parallel_loop3A_465 = arith.shrsi %parallel_loop3A_463, %parallel_loop3A_464 : i32
      %parallel_loop3A_466 = arith.constant 63 : i32
      %parallel_loop3A_467 = arith.andi %parallel_loop3A_463, %parallel_loop3A_466 : i32
      %parallel_loop3A_468 = arith.constant 16 : i32
      %parallel_loop3A_469 = arith.muli %parallel_loop3A_467, %parallel_loop3A_468 : i32
      %parallel_loop3A_470 = arith.index_cast %parallel_loop3A_465 : i32 to index
      %parallel_loop3A_471 = arith.index_cast %parallel_loop3A_469 : i32 to index
      %parallel_loop3A_472 = tpu.vector_load %arg17[%parallel_loop3A_470, %parallel_loop3A_471] {strides = array<i32>} : memref<16x1024xf32, #tpu.memory_space<vmem>>, vector<1x16xf32>,
      %parallel_loop3A_473 = vector.shape_cast %parallel_loop3A_472 : vector<1x16xf32> to vector<16xf32>
      %parallel_loop3A_474 = arith.index_cast %parallel_loop3A_465 : i32 to index
      %parallel_loop3A_475 = arith.index_cast %parallel_loop3A_469 : i32 to index
      %parallel_loop3A_476 = tpu.vector_load %arg20[%parallel_loop3A_474, %parallel_loop3A_475] {strides = array<i32>} : memref<16x1024xf32, #tpu.memory_space<vmem>>, vector<1x16xf32>,
      %parallel_loop3A_477 = vector.shape_cast %parallel_loop3A_476 : vector<1x16xf32> to vector<16xf32>
      %parallel_loop3A_478 = arith.addf %parallel_loop3A_473, %parallel_loop3A_477 : vector<16xf32>
      %parallel_loop3A_479 = arith.index_cast %parallel_loop3A_465 : i32 to index
      %parallel_loop3A_480 = arith.index_cast %parallel_loop3A_469 : i32 to index
      %parallel_loop3A_481 = tpu.vector_load %arg17[%parallel_loop3A_479, %parallel_loop3A_480] {strides = array<i32>} : memref<16x1024xf32, #tpu.memory_space<vmem>>, vector<1x16xf32>,
      %parallel_loop3A_482 = vector.shape_cast %parallel_loop3A_481 : vector<1x16xf32> to vector<16xf32>
      %parallel_loop3A_483 = vector.shape_cast %parallel_loop3A_478 : vector<16xf32> to vector<1x16xf32>
      tpu.vector_store %arg17[%parallel_loop3A_479, %parallel_loop3A_480], %parallel_loop3A_483 {strides = array<i32>} : memref<16x1024xf32, #tpu.memory_space<vmem>>, vector<1x16xf32>,
    } {sc.loop_unroll_factor = 8 : i64, sc.parallel_access}
    %dma_start3A_269 = arith.constant 0 : i32
    %dma_start3A_270 = arith.constant 0 : i32
    %dma_start3A_271 = tpu.memref_slice %arg6[%dma_start3A_269, %dma_start3A_270] : memref<4112x1024xf32, #tpu.memory_space<hbm>> -> memref<4112x1024xf32, #tpu.memory_space<hbm>>
    tpu.enqueue_indirect_dma source(%arg17 : memref<16x1024xf32, #tpu.memory_space<vmem>>) target(%dma_start3A_271 : memref<4112x1024xf32, #tpu.memory_space<hbm>>) offsets(%arg14 : memref<16xi32, #tpu.memory_space<vmem>>) semaphore(%arg31 : memref<!tpu.dma_semaphore, #tpu.memory_space<semaphore_mem>>)
    %dma_wait3A_272 = arith.constant 0 : i32
    %dma_wait3A_273 = arith.constant 0 : i32
    %dma_wait3A_274 = tpu.memref_slice %arg6[%dma_wait3A_272, %dma_wait3A_273] : memref<4112x1024xf32, #tpu.memory_space<hbm>> -> memref<4112x1024xf32, #tpu.memory_space<hbm>>
    tpu.wait_indirect_dma semaphore(%arg33 : memref<!tpu.dma_semaphore, #tpu.memory_space<semaphore_mem>>) src(%arg19 : memref<16x1024xf32, #tpu.memory_space<vmem>>) dst(%dma_wait3A_274 : memref<4112x1024xf32, #tpu.memory_space<hbm>>)
    %get3A_275 = arith.constant 80 : index
    %get3A_276 = tpu.vector_load %arg7[%get3A_275] {strides = array<i32>} : memref<128xi32, #tpu.memory_space<vmem>>, vector<16xi32>,
    %get3A_277 = vector.shape_cast %get3A_276 : vector<16xi32> to vector<16xi32>
    %mul3A_278 = arith.constant 512 : i32
    %mul3A_279 = arith.muli %select_n3A, %mul3A_278 : i32
    %add3A_280 = vector.broadcast %mul3A_279 : i32 to vector<16xi32>
    %add3A_281 = arith.addi %get3A_277, %add3A_280 : vector<16xi32>
    %swap3A_282 = arith.constant 0 : index
    %swap3A_283 = tpu.vector_load %arg10[%swap3A_282] {strides = array<i32>} : memref<16xi32, #tpu.memory_space<vmem>>, vector<16xi32>,
    %swap3A_284 = vector.shape_cast %swap3A_283 : vector<16xi32> to vector<16xi32>
    %swap3A_285 = vector.shape_cast %add3A_281 : vector<16xi32> to vector<16xi32>
    tpu.vector_store %arg10[%swap3A_282], %swap3A_285 {strides = array<i32>} : memref<16xi32, #tpu.memory_space<vmem>>, vector<16xi32>,
    %add3A_286 = arith.constant 1 : i32
    %add3A_287 = vector.broadcast %add3A_286 : i32 to vector<16xi32>
    %add3A_288 = arith.addi %get3A_277, %add3A_287 : vector<16xi32>
    %swap3A_289 = arith.constant 0 : index
    %swap3A_290 = tpu.vector_load %arg13[%swap3A_289] {strides = array<i32>} : memref<16xi32, #tpu.memory_space<vmem>>, vector<16xi32>,
    %swap3A_291 = vector.shape_cast %swap3A_290 : vector<16xi32> to vector<16xi32>
    %swap3A_292 = vector.shape_cast %add3A_288 : vector<16xi32> to vector<16xi32>
    tpu.vector_store %arg13[%swap3A_289], %swap3A_292 {strides = array<i32>} : memref<16xi32, #tpu.memory_space<vmem>>, vector<16xi32>,
    %iota3A_293 = tpu.iota {dimensions = array<i32: 0>} : vector<16xi32>
    %add3A_294 = arith.constant 80 : i32
    %add3A_295 = arith.addi %sub3A_21, %add3A_294 : i32
    %add3A_296 = arith.constant 1 : i32
    %add3A_297 = arith.addi %add3A_295, %add3A_296 : i32
    %add3A_298 = vector.broadcast %add3A_297 : i32 to vector<16xi32>
    %add3A_299 = arith.addi %iota3A_293, %add3A_298 : vector<16xi32>
    %mul3A_300 = arith.constant 16 : i32
    %mul3A_301 = vector.broadcast %mul3A_300 : i32 to vector<16xi32>
    %mul3A_302 = arith.muli %add3A_299, %mul3A_301 : vector<16xi32>
    %add3A_303 = vector.broadcast %select_n3A : i32 to vector<16xi32>
    %add3A_304 = arith.addi %mul3A_302, %add3A_303 : vector<16xi32>
    %swap3A_305 = arith.constant 0 : index
    %swap3A_306 = tpu.vector_load %arg16[%swap3A_305] {strides = array<i32>} : memref<16xi32, #tpu.memory_space<vmem>>, vector<16xi32>,
    %swap3A_307 = vector.shape_cast %swap3A_306 : vector<16xi32> to vector<16xi32>
    %swap3A_308 = vector.shape_cast %add3A_304 : vector<16xi32> to vector<16xi32>
    tpu.vector_store %arg16[%swap3A_305], %swap3A_308 {strides = array<i32>} : memref<16xi32, #tpu.memory_space<vmem>>, vector<16xi32>,
    %dma_start3A_309 = arith.constant 0 : i32
    %dma_start3A_310 = arith.constant 0 : i32
    %dma_start3A_311 = tpu.memref_slice %arg2[%dma_start3A_309, %dma_start3A_310] : memref<8192x1024xf32, #tpu.memory_space<hbm>> -> memref<8192x1024xf32, #tpu.memory_space<hbm>>
    tpu.enqueue_indirect_dma source(%dma_start3A_311 : memref<8192x1024xf32, #tpu.memory_space<hbm>>) target(%arg19 : memref<16x1024xf32, #tpu.memory_space<vmem>>) offsets(%arg10 : memref<16xi32, #tpu.memory_space<vmem>>) semaphore(%arg27 : memref<!tpu.dma_semaphore, #tpu.memory_space<semaphore_mem>>)
    %dma_start3A_312 = arith.constant 0 : i32
    %dma_start3A_313 = arith.constant 0 : i32
    %dma_start3A_314 = tpu.memref_slice %arg4[%dma_start3A_312, %dma_start3A_313] : memref<513x1024xf32, #tpu.memory_space<hbm>> -> memref<513x1024xf32, #tpu.memory_space<hbm>>
    tpu.enqueue_indirect_dma source(%dma_start3A_314 : memref<513x1024xf32, #tpu.memory_space<hbm>>) target(%arg22 : memref<16x1024xf32, #tpu.memory_space<vmem>>) offsets(%arg13 : memref<16xi32, #tpu.memory_space<vmem>>) semaphore(%arg30 : memref<!tpu.dma_semaphore, #tpu.memory_space<semaphore_mem>>)
    %dma_wait3A_315 = arith.constant 0 : i32
    %dma_wait3A_316 = arith.constant 0 : i32
    %dma_wait3A_317 = tpu.memref_slice %arg2[%dma_wait3A_315, %dma_wait3A_316] : memref<8192x1024xf32, #tpu.memory_space<hbm>> -> memref<8192x1024xf32, #tpu.memory_space<hbm>>
    tpu.wait_indirect_dma semaphore(%arg26 : memref<!tpu.dma_semaphore, #tpu.memory_space<semaphore_mem>>) src(%dma_wait3A_317 : memref<8192x1024xf32, #tpu.memory_space<hbm>>) dst(%arg18 : memref<16x1024xf32, #tpu.memory_space<vmem>>)
    %dma_wait3A_318 = arith.constant 0 : i32
    %dma_wait3A_319 = arith.constant 0 : i32
    %dma_wait3A_320 = tpu.memref_slice %arg4[%dma_wait3A_318, %dma_wait3A_319] : memref<513x1024xf32, #tpu.memory_space<hbm>> -> memref<513x1024xf32, #tpu.memory_space<hbm>>
    tpu.wait_indirect_dma semaphore(%arg29 : memref<!tpu.dma_semaphore, #tpu.memory_space<semaphore_mem>>) src(%dma_wait3A_320 : memref<513x1024xf32, #tpu.memory_space<hbm>>) dst(%arg21 : memref<16x1024xf32, #tpu.memory_space<vmem>>)
    %parallel_loop3A_321 = arith.constant 0 : i32
    %parallel_loop3A_322 = arith.constant 1024 : i32
    %parallel_loop3A_323 = arith.constant 1 : i32
    scf.for %parallel_loop3A_463 = %parallel_loop3A_321 to %parallel_loop3A_322 step %parallel_loop3A_323  : i32 {
      %parallel_loop3A_464 = arith.constant 6 : i32
      %parallel_loop3A_465 = arith.shrsi %parallel_loop3A_463, %parallel_loop3A_464 : i32
      %parallel_loop3A_466 = arith.constant 63 : i32
      %parallel_loop3A_467 = arith.andi %parallel_loop3A_463, %parallel_loop3A_466 : i32
      %parallel_loop3A_468 = arith.constant 16 : i32
      %parallel_loop3A_469 = arith.muli %parallel_loop3A_467, %parallel_loop3A_468 : i32
      %parallel_loop3A_470 = arith.index_cast %parallel_loop3A_465 : i32 to index
      %parallel_loop3A_471 = arith.index_cast %parallel_loop3A_469 : i32 to index
      %parallel_loop3A_472 = tpu.vector_load %arg18[%parallel_loop3A_470, %parallel_loop3A_471] {strides = array<i32>} : memref<16x1024xf32, #tpu.memory_space<vmem>>, vector<1x16xf32>,
      %parallel_loop3A_473 = vector.shape_cast %parallel_loop3A_472 : vector<1x16xf32> to vector<16xf32>
      %parallel_loop3A_474 = arith.index_cast %parallel_loop3A_465 : i32 to index
      %parallel_loop3A_475 = arith.index_cast %parallel_loop3A_469 : i32 to index
      %parallel_loop3A_476 = tpu.vector_load %arg21[%parallel_loop3A_474, %parallel_loop3A_475] {strides = array<i32>} : memref<16x1024xf32, #tpu.memory_space<vmem>>, vector<1x16xf32>,
      %parallel_loop3A_477 = vector.shape_cast %parallel_loop3A_476 : vector<1x16xf32> to vector<16xf32>
      %parallel_loop3A_478 = arith.addf %parallel_loop3A_473, %parallel_loop3A_477 : vector<16xf32>
      %parallel_loop3A_479 = arith.index_cast %parallel_loop3A_465 : i32 to index
      %parallel_loop3A_480 = arith.index_cast %parallel_loop3A_469 : i32 to index
      %parallel_loop3A_481 = tpu.vector_load %arg18[%parallel_loop3A_479, %parallel_loop3A_480] {strides = array<i32>} : memref<16x1024xf32, #tpu.memory_space<vmem>>, vector<1x16xf32>,
      %parallel_loop3A_482 = vector.shape_cast %parallel_loop3A_481 : vector<1x16xf32> to vector<16xf32>
      %parallel_loop3A_483 = vector.shape_cast %parallel_loop3A_478 : vector<16xf32> to vector<1x16xf32>
      tpu.vector_store %arg18[%parallel_loop3A_479, %parallel_loop3A_480], %parallel_loop3A_483 {strides = array<i32>} : memref<16x1024xf32, #tpu.memory_space<vmem>>, vector<1x16xf32>,
    } {sc.loop_unroll_factor = 8 : i64, sc.parallel_access}
    %dma_start3A_324 = arith.constant 0 : i32
    %dma_start3A_325 = arith.constant 0 : i32
    %dma_start3A_326 = tpu.memref_slice %arg6[%dma_start3A_324, %dma_start3A_325] : memref<4112x1024xf32, #tpu.memory_space<hbm>> -> memref<4112x1024xf32, #tpu.memory_space<hbm>>
    tpu.enqueue_indirect_dma source(%arg18 : memref<16x1024xf32, #tpu.memory_space<vmem>>) target(%dma_start3A_326 : memref<4112x1024xf32, #tpu.memory_space<hbm>>) offsets(%arg15 : memref<16xi32, #tpu.memory_space<vmem>>) semaphore(%arg32 : memref<!tpu.dma_semaphore, #tpu.memory_space<semaphore_mem>>)
    %dma_wait3A_327 = arith.constant 0 : i32
    %dma_wait3A_328 = arith.constant 0 : i32
    %dma_wait3A_329 = tpu.memref_slice %arg6[%dma_wait3A_327, %dma_wait3A_328] : memref<4112x1024xf32, #tpu.memory_space<hbm>> -> memref<4112x1024xf32, #tpu.memory_space<hbm>>
    tpu.wait_indirect_dma semaphore(%arg31 : memref<!tpu.dma_semaphore, #tpu.memory_space<semaphore_mem>>) src(%arg17 : memref<16x1024xf32, #tpu.memory_space<vmem>>) dst(%dma_wait3A_329 : memref<4112x1024xf32, #tpu.memory_space<hbm>>)
    %get3A_330 = arith.constant 96 : index
    %get3A_331 = tpu.vector_load %arg7[%get3A_330] {strides = array<i32>} : memref<128xi32, #tpu.memory_space<vmem>>, vector<16xi32>,
    %get3A_332 = vector.shape_cast %get3A_331 : vector<16xi32> to vector<16xi32>
    %mul3A_333 = arith.constant 512 : i32
    %mul3A_334 = arith.muli %select_n3A, %mul3A_333 : i32
    %add3A_335 = vector.broadcast %mul3A_334 : i32 to vector<16xi32>
    %add3A_336 = arith.addi %get3A_332, %add3A_335 : vector<16xi32>
    %swap3A_337 = arith.constant 0 : index
    %swap3A_338 = tpu.vector_load %arg8[%swap3A_337] {strides = array<i32>} : memref<16xi32, #tpu.memory_space<vmem>>, vector<16xi32>,
    %swap3A_339 = vector.shape_cast %swap3A_338 : vector<16xi32> to vector<16xi32>
    %swap3A_340 = vector.shape_cast %add3A_336 : vector<16xi32> to vector<16xi32>
    tpu.vector_store %arg8[%swap3A_337], %swap3A_340 {strides = array<i32>} : memref<16xi32, #tpu.memory_space<vmem>>, vector<16xi32>,
    %add3A_341 = arith.constant 1 : i32
    %add3A_342 = vector.broadcast %add3A_341 : i32 to vector<16xi32>
    %add3A_343 = arith.addi %get3A_332, %add3A_342 : vector<16xi32>
    %swap3A_344 = arith.constant 0 : index
    %swap3A_345 = tpu.vector_load %arg11[%swap3A_344] {strides = array<i32>} : memref<16xi32, #tpu.memory_space<vmem>>, vector<16xi32>,
    %swap3A_346 = vector.shape_cast %swap3A_345 : vector<16xi32> to vector<16xi32>
    %swap3A_347 = vector.shape_cast %add3A_343 : vector<16xi32> to vector<16xi32>
    tpu.vector_store %arg11[%swap3A_344], %swap3A_347 {strides = array<i32>} : memref<16xi32, #tpu.memory_space<vmem>>, vector<16xi32>,
    %iota3A_348 = tpu.iota {dimensions = array<i32: 0>} : vector<16xi32>
    %add3A_349 = arith.constant 96 : i32
    %add3A_350 = arith.addi %sub3A_21, %add3A_349 : i32
    %add3A_351 = arith.constant 1 : i32
    %add3A_352 = arith.addi %add3A_350, %add3A_351 : i32
    %add3A_353 = vector.broadcast %add3A_352 : i32 to vector<16xi32>
    %add3A_354 = arith.addi %iota3A_348, %add3A_353 : vector<16xi32>
    %mul3A_355 = arith.constant 16 : i32
    %mul3A_356 = vector.broadcast %mul3A_355 : i32 to vector<16xi32>
    %mul3A_357 = arith.muli %add3A_354, %mul3A_356 : vector<16xi32>
    %add3A_358 = vector.broadcast %select_n3A : i32 to vector<16xi32>
    %add3A_359 = arith.addi %mul3A_357, %add3A_358 : vector<16xi32>
    %swap3A_360 = arith.constant 0 : index
    %swap3A_361 = tpu.vector_load %arg14[%swap3A_360] {strides = array<i32>} : memref<16xi32, #tpu.memory_space<vmem>>, vector<16xi32>,
    %swap3A_362 = vector.shape_cast %swap3A_361 : vector<16xi32> to vector<16xi32>
    %swap3A_363 = vector.shape_cast %add3A_359 : vector<16xi32> to vector<16xi32>
    tpu.vector_store %arg14[%swap3A_360], %swap3A_363 {strides = array<i32>} : memref<16xi32, #tpu.memory_space<vmem>>, vector<16xi32>,
    %dma_start3A_364 = arith.constant 0 : i32
    %dma_start3A_365 = arith.constant 0 : i32
    %dma_start3A_366 = tpu.memref_slice %arg2[%dma_start3A_364, %dma_start3A_365] : memref<8192x1024xf32, #tpu.memory_space<hbm>> -> memref<8192x1024xf32, #tpu.memory_space<hbm>>
    tpu.enqueue_indirect_dma source(%dma_start3A_366 : memref<8192x1024xf32, #tpu.memory_space<hbm>>) target(%arg17 : memref<16x1024xf32, #tpu.memory_space<vmem>>) offsets(%arg8 : memref<16xi32, #tpu.memory_space<vmem>>) semaphore(%arg25 : memref<!tpu.dma_semaphore, #tpu.memory_space<semaphore_mem>>)
    %dma_start3A_367 = arith.constant 0 : i32
    %dma_start3A_368 = arith.constant 0 : i32
    %dma_start3A_369 = tpu.memref_slice %arg4[%dma_start3A_367, %dma_start3A_368] : memref<513x1024xf32, #tpu.memory_space<hbm>> -> memref<513x1024xf32, #tpu.memory_space<hbm>>
    tpu.enqueue_indirect_dma source(%dma_start3A_369 : memref<513x1024xf32, #tpu.memory_space<hbm>>) target(%arg20 : memref<16x1024xf32, #tpu.memory_space<vmem>>) offsets(%arg11 : memref<16xi32, #tpu.memory_space<vmem>>) semaphore(%arg28 : memref<!tpu.dma_semaphore, #tpu.memory_space<semaphore_mem>>)
    %dma_wait3A_370 = arith.constant 0 : i32
    %dma_wait3A_371 = arith.constant 0 : i32
    %dma_wait3A_372 = tpu.memref_slice %arg2[%dma_wait3A_370, %dma_wait3A_371] : memref<8192x1024xf32, #tpu.memory_space<hbm>> -> memref<8192x1024xf32, #tpu.memory_space<hbm>>
    tpu.wait_indirect_dma semaphore(%arg27 : memref<!tpu.dma_semaphore, #tpu.memory_space<semaphore_mem>>) src(%dma_wait3A_372 : memref<8192x1024xf32, #tpu.memory_space<hbm>>) dst(%arg19 : memref<16x1024xf32, #tpu.memory_space<vmem>>)
    %dma_wait3A_373 = arith.constant 0 : i32
    %dma_wait3A_374 = arith.constant 0 : i32
    %dma_wait3A_375 = tpu.memref_slice %arg4[%dma_wait3A_373, %dma_wait3A_374] : memref<513x1024xf32, #tpu.memory_space<hbm>> -> memref<513x1024xf32, #tpu.memory_space<hbm>>
    tpu.wait_indirect_dma semaphore(%arg30 : memref<!tpu.dma_semaphore, #tpu.memory_space<semaphore_mem>>) src(%dma_wait3A_375 : memref<513x1024xf32, #tpu.memory_space<hbm>>) dst(%arg22 : memref<16x1024xf32, #tpu.memory_space<vmem>>)
    %parallel_loop3A_376 = arith.constant 0 : i32
    %parallel_loop3A_377 = arith.constant 1024 : i32
    %parallel_loop3A_378 = arith.constant 1 : i32
    scf.for %parallel_loop3A_463 = %parallel_loop3A_376 to %parallel_loop3A_377 step %parallel_loop3A_378  : i32 {
      %parallel_loop3A_464 = arith.constant 6 : i32
      %parallel_loop3A_465 = arith.shrsi %parallel_loop3A_463, %parallel_loop3A_464 : i32
      %parallel_loop3A_466 = arith.constant 63 : i32
      %parallel_loop3A_467 = arith.andi %parallel_loop3A_463, %parallel_loop3A_466 : i32
      %parallel_loop3A_468 = arith.constant 16 : i32
      %parallel_loop3A_469 = arith.muli %parallel_loop3A_467, %parallel_loop3A_468 : i32
      %parallel_loop3A_470 = arith.index_cast %parallel_loop3A_465 : i32 to index
      %parallel_loop3A_471 = arith.index_cast %parallel_loop3A_469 : i32 to index
      %parallel_loop3A_472 = tpu.vector_load %arg19[%parallel_loop3A_470, %parallel_loop3A_471] {strides = array<i32>} : memref<16x1024xf32, #tpu.memory_space<vmem>>, vector<1x16xf32>,
      %parallel_loop3A_473 = vector.shape_cast %parallel_loop3A_472 : vector<1x16xf32> to vector<16xf32>
      %parallel_loop3A_474 = arith.index_cast %parallel_loop3A_465 : i32 to index
      %parallel_loop3A_475 = arith.index_cast %parallel_loop3A_469 : i32 to index
      %parallel_loop3A_476 = tpu.vector_load %arg22[%parallel_loop3A_474, %parallel_loop3A_475] {strides = array<i32>} : memref<16x1024xf32, #tpu.memory_space<vmem>>, vector<1x16xf32>,
      %parallel_loop3A_477 = vector.shape_cast %parallel_loop3A_476 : vector<1x16xf32> to vector<16xf32>
      %parallel_loop3A_478 = arith.addf %parallel_loop3A_473, %parallel_loop3A_477 : vector<16xf32>
      %parallel_loop3A_479 = arith.index_cast %parallel_loop3A_465 : i32 to index
      %parallel_loop3A_480 = arith.index_cast %parallel_loop3A_469 : i32 to index
      %parallel_loop3A_481 = tpu.vector_load %arg19[%parallel_loop3A_479, %parallel_loop3A_480] {strides = array<i32>} : memref<16x1024xf32, #tpu.memory_space<vmem>>, vector<1x16xf32>,
      %parallel_loop3A_482 = vector.shape_cast %parallel_loop3A_481 : vector<1x16xf32> to vector<16xf32>
      %parallel_loop3A_483 = vector.shape_cast %parallel_loop3A_478 : vector<16xf32> to vector<1x16xf32>
      tpu.vector_store %arg19[%parallel_loop3A_479, %parallel_loop3A_480], %parallel_loop3A_483 {strides = array<i32>} : memref<16x1024xf32, #tpu.memory_space<vmem>>, vector<1x16xf32>,
    } {sc.loop_unroll_factor = 8 : i64, sc.parallel_access}
    %dma_start3A_379 = arith.constant 0 : i32
    %dma_start3A_380 = arith.constant 0 : i32
    %dma_start3A_381 = tpu.memref_slice %arg6[%dma_start3A_379, %dma_start3A_380] : memref<4112x1024xf32, #tpu.memory_space<hbm>> -> memref<4112x1024xf32, #tpu.memory_space<hbm>>
    tpu.enqueue_indirect_dma source(%arg19 : memref<16x1024xf32, #tpu.memory_space<vmem>>) target(%dma_start3A_381 : memref<4112x1024xf32, #tpu.memory_space<hbm>>) offsets(%arg16 : memref<16xi32, #tpu.memory_space<vmem>>) semaphore(%arg33 : memref<!tpu.dma_semaphore, #tpu.memory_space<semaphore_mem>>)
    %dma_wait3A_382 = arith.constant 0 : i32
    %dma_wait3A_383 = arith.constant 0 : i32
    %dma_wait3A_384 = tpu.memref_slice %arg6[%dma_wait3A_382, %dma_wait3A_383] : memref<4112x1024xf32, #tpu.memory_space<hbm>> -> memref<4112x1024xf32, #tpu.memory_space<hbm>>
    tpu.wait_indirect_dma semaphore(%arg32 : memref<!tpu.dma_semaphore, #tpu.memory_space<semaphore_mem>>) src(%arg18 : memref<16x1024xf32, #tpu.memory_space<vmem>>) dst(%dma_wait3A_384 : memref<4112x1024xf32, #tpu.memory_space<hbm>>)
    %get3A_385 = arith.constant 112 : index
    %get3A_386 = tpu.vector_load %arg7[%get3A_385] {strides = array<i32>} : memref<128xi32, #tpu.memory_space<vmem>>, vector<16xi32>,
    %get3A_387 = vector.shape_cast %get3A_386 : vector<16xi32> to vector<16xi32>
    %mul3A_388 = arith.constant 512 : i32
    %mul3A_389 = arith.muli %select_n3A, %mul3A_388 : i32
    %add3A_390 = vector.broadcast %mul3A_389 : i32 to vector<16xi32>
    %add3A_391 = arith.addi %get3A_387, %add3A_390 : vector<16xi32>
    %swap3A_392 = arith.constant 0 : index
    %swap3A_393 = tpu.vector_load %arg9[%swap3A_392] {strides = array<i32>} : memref<16xi32, #tpu.memory_space<vmem>>, vector<16xi32>,
    %swap3A_394 = vector.shape_cast %swap3A_393 : vector<16xi32> to vector<16xi32>
    %swap3A_395 = vector.shape_cast %add3A_391 : vector<16xi32> to vector<16xi32>
    tpu.vector_store %arg9[%swap3A_392], %swap3A_395 {strides = array<i32>} : memref<16xi32, #tpu.memory_space<vmem>>, vector<16xi32>,
    %add3A_396 = arith.constant 1 : i32
    %add3A_397 = vector.broadcast %add3A_396 : i32 to vector<16xi32>
    %add3A_398 = arith.addi %get3A_387, %add3A_397 : vector<16xi32>
    %swap3A_399 = arith.constant 0 : index
    %swap3A_400 = tpu.vector_load %arg12[%swap3A_399] {strides = array<i32>} : memref<16xi32, #tpu.memory_space<vmem>>, vector<16xi32>,
    %swap3A_401 = vector.shape_cast %swap3A_400 : vector<16xi32> to vector<16xi32>
    %swap3A_402 = vector.shape_cast %add3A_398 : vector<16xi32> to vector<16xi32>
    tpu.vector_store %arg12[%swap3A_399], %swap3A_402 {strides = array<i32>} : memref<16xi32, #tpu.memory_space<vmem>>, vector<16xi32>,
    %iota3A_403 = tpu.iota {dimensions = array<i32: 0>} : vector<16xi32>
    %add3A_404 = arith.constant 112 : i32
    %add3A_405 = arith.addi %sub3A_21, %add3A_404 : i32
    %add3A_406 = arith.constant 1 : i32
    %add3A_407 = arith.addi %add3A_405, %add3A_406 : i32
    %add3A_408 = vector.broadcast %add3A_407 : i32 to vector<16xi32>
    %add3A_409 = arith.addi %iota3A_403, %add3A_408 : vector<16xi32>
    %mul3A_410 = arith.constant 16 : i32
    %mul3A_411 = vector.broadcast %mul3A_410 : i32 to vector<16xi32>
    %mul3A_412 = arith.muli %add3A_409, %mul3A_411 : vector<16xi32>
    %add3A_413 = vector.broadcast %select_n3A : i32 to vector<16xi32>
    %add3A_414 = arith.addi %mul3A_412, %add3A_413 : vector<16xi32>
    %swap3A_415 = arith.constant 0 : index
    %swap3A_416 = tpu.vector_load %arg15[%swap3A_415] {strides = array<i32>} : memref<16xi32, #tpu.memory_space<vmem>>, vector<16xi32>,
    %swap3A_417 = vector.shape_cast %swap3A_416 : vector<16xi32> to vector<16xi32>
    %swap3A_418 = vector.shape_cast %add3A_414 : vector<16xi32> to vector<16xi32>
    tpu.vector_store %arg15[%swap3A_415], %swap3A_418 {strides = array<i32>} : memref<16xi32, #tpu.memory_space<vmem>>, vector<16xi32>,
    %dma_start3A_419 = arith.constant 0 : i32
    %dma_start3A_420 = arith.constant 0 : i32
    %dma_start3A_421 = tpu.memref_slice %arg2[%dma_start3A_419, %dma_start3A_420] : memref<8192x1024xf32, #tpu.memory_space<hbm>> -> memref<8192x1024xf32, #tpu.memory_space<hbm>>
    tpu.enqueue_indirect_dma source(%dma_start3A_421 : memref<8192x1024xf32, #tpu.memory_space<hbm>>) target(%arg18 : memref<16x1024xf32, #tpu.memory_space<vmem>>) offsets(%arg9 : memref<16xi32, #tpu.memory_space<vmem>>) semaphore(%arg26 : memref<!tpu.dma_semaphore, #tpu.memory_space<semaphore_mem>>)
    %dma_start3A_422 = arith.constant 0 : i32
    %dma_start3A_423 = arith.constant 0 : i32
    %dma_start3A_424 = tpu.memref_slice %arg4[%dma_start3A_422, %dma_start3A_423] : memref<513x1024xf32, #tpu.memory_space<hbm>> -> memref<513x1024xf32, #tpu.memory_space<hbm>>
    tpu.enqueue_indirect_dma source(%dma_start3A_424 : memref<513x1024xf32, #tpu.memory_space<hbm>>) target(%arg21 : memref<16x1024xf32, #tpu.memory_space<vmem>>) offsets(%arg12 : memref<16xi32, #tpu.memory_space<vmem>>) semaphore(%arg29 : memref<!tpu.dma_semaphore, #tpu.memory_space<semaphore_mem>>)
    %dma_wait3A_425 = arith.constant 0 : i32
    %dma_wait3A_426 = arith.constant 0 : i32
    %dma_wait3A_427 = tpu.memref_slice %arg2[%dma_wait3A_425, %dma_wait3A_426] : memref<8192x1024xf32, #tpu.memory_space<hbm>> -> memref<8192x1024xf32, #tpu.memory_space<hbm>>
    tpu.wait_indirect_dma semaphore(%arg25 : memref<!tpu.dma_semaphore, #tpu.memory_space<semaphore_mem>>) src(%dma_wait3A_427 : memref<8192x1024xf32, #tpu.memory_space<hbm>>) dst(%arg17 : memref<16x1024xf32, #tpu.memory_space<vmem>>)
    %dma_wait3A_428 = arith.constant 0 : i32
    %dma_wait3A_429 = arith.constant 0 : i32
    %dma_wait3A_430 = tpu.memref_slice %arg4[%dma_wait3A_428, %dma_wait3A_429] : memref<513x1024xf32, #tpu.memory_space<hbm>> -> memref<513x1024xf32, #tpu.memory_space<hbm>>
    tpu.wait_indirect_dma semaphore(%arg28 : memref<!tpu.dma_semaphore, #tpu.memory_space<semaphore_mem>>) src(%dma_wait3A_430 : memref<513x1024xf32, #tpu.memory_space<hbm>>) dst(%arg20 : memref<16x1024xf32, #tpu.memory_space<vmem>>)
    %parallel_loop3A_431 = arith.constant 0 : i32
    %parallel_loop3A_432 = arith.constant 1024 : i32
    %parallel_loop3A_433 = arith.constant 1 : i32
    scf.for %parallel_loop3A_463 = %parallel_loop3A_431 to %parallel_loop3A_432 step %parallel_loop3A_433  : i32 {
      %parallel_loop3A_464 = arith.constant 6 : i32
      %parallel_loop3A_465 = arith.shrsi %parallel_loop3A_463, %parallel_loop3A_464 : i32
      %parallel_loop3A_466 = arith.constant 63 : i32
      %parallel_loop3A_467 = arith.andi %parallel_loop3A_463, %parallel_loop3A_466 : i32
      %parallel_loop3A_468 = arith.constant 16 : i32
      %parallel_loop3A_469 = arith.muli %parallel_loop3A_467, %parallel_loop3A_468 : i32
      %parallel_loop3A_470 = arith.index_cast %parallel_loop3A_465 : i32 to index
      %parallel_loop3A_471 = arith.index_cast %parallel_loop3A_469 : i32 to index
      %parallel_loop3A_472 = tpu.vector_load %arg17[%parallel_loop3A_470, %parallel_loop3A_471] {strides = array<i32>} : memref<16x1024xf32, #tpu.memory_space<vmem>>, vector<1x16xf32>,
      %parallel_loop3A_473 = vector.shape_cast %parallel_loop3A_472 : vector<1x16xf32> to vector<16xf32>
      %parallel_loop3A_474 = arith.index_cast %parallel_loop3A_465 : i32 to index
      %parallel_loop3A_475 = arith.index_cast %parallel_loop3A_469 : i32 to index
      %parallel_loop3A_476 = tpu.vector_load %arg20[%parallel_loop3A_474, %parallel_loop3A_475] {strides = array<i32>} : memref<16x1024xf32, #tpu.memory_space<vmem>>, vector<1x16xf32>,
      %parallel_loop3A_477 = vector.shape_cast %parallel_loop3A_476 : vector<1x16xf32> to vector<16xf32>
      %parallel_loop3A_478 = arith.addf %parallel_loop3A_473, %parallel_loop3A_477 : vector<16xf32>
      %parallel_loop3A_479 = arith.index_cast %parallel_loop3A_465 : i32 to index
      %parallel_loop3A_480 = arith.index_cast %parallel_loop3A_469 : i32 to index
      %parallel_loop3A_481 = tpu.vector_load %arg17[%parallel_loop3A_479, %parallel_loop3A_480] {strides = array<i32>} : memref<16x1024xf32, #tpu.memory_space<vmem>>, vector<1x16xf32>,
      %parallel_loop3A_482 = vector.shape_cast %parallel_loop3A_481 : vector<1x16xf32> to vector<16xf32>
      %parallel_loop3A_483 = vector.shape_cast %parallel_loop3A_478 : vector<16xf32> to vector<1x16xf32>
      tpu.vector_store %arg17[%parallel_loop3A_479, %parallel_loop3A_480], %parallel_loop3A_483 {strides = array<i32>} : memref<16x1024xf32, #tpu.memory_space<vmem>>, vector<1x16xf32>,
    } {sc.loop_unroll_factor = 8 : i64, sc.parallel_access}
    %dma_start3A_434 = arith.constant 0 : i32
    %dma_start3A_435 = arith.constant 0 : i32
    %dma_start3A_436 = tpu.memref_slice %arg6[%dma_start3A_434, %dma_start3A_435] : memref<4112x1024xf32, #tpu.memory_space<hbm>> -> memref<4112x1024xf32, #tpu.memory_space<hbm>>
    tpu.enqueue_indirect_dma source(%arg17 : memref<16x1024xf32, #tpu.memory_space<vmem>>) target(%dma_start3A_436 : memref<4112x1024xf32, #tpu.memory_space<hbm>>) offsets(%arg14 : memref<16xi32, #tpu.memory_space<vmem>>) semaphore(%arg31 : memref<!tpu.dma_semaphore, #tpu.memory_space<semaphore_mem>>)
    %dma_wait3A_437 = arith.constant 0 : i32
    %dma_wait3A_438 = arith.constant 0 : i32
    %dma_wait3A_439 = tpu.memref_slice %arg2[%dma_wait3A_437, %dma_wait3A_438] : memref<8192x1024xf32, #tpu.memory_space<hbm>> -> memref<8192x1024xf32, #tpu.memory_space<hbm>>
    tpu.wait_indirect_dma semaphore(%arg26 : memref<!tpu.dma_semaphore, #tpu.memory_space<semaphore_mem>>) src(%dma_wait3A_439 : memref<8192x1024xf32, #tpu.memory_space<hbm>>) dst(%arg18 : memref<16x1024xf32, #tpu.memory_space<vmem>>)
    %dma_wait3A_440 = arith.constant 0 : i32
    %dma_wait3A_441 = arith.constant 0 : i32
    %dma_wait3A_442 = tpu.memref_slice %arg4[%dma_wait3A_440, %dma_wait3A_441] : memref<513x1024xf32, #tpu.memory_space<hbm>> -> memref<513x1024xf32, #tpu.memory_space<hbm>>
    tpu.wait_indirect_dma semaphore(%arg29 : memref<!tpu.dma_semaphore, #tpu.memory_space<semaphore_mem>>) src(%dma_wait3A_442 : memref<513x1024xf32, #tpu.memory_space<hbm>>) dst(%arg21 : memref<16x1024xf32, #tpu.memory_space<vmem>>)
    %parallel_loop3A_443 = arith.constant 0 : i32
    %parallel_loop3A_444 = arith.constant 1024 : i32
    %parallel_loop3A_445 = arith.constant 1 : i32
    scf.for %parallel_loop3A_463 = %parallel_loop3A_443 to %parallel_loop3A_444 step %parallel_loop3A_445  : i32 {
      %parallel_loop3A_464 = arith.constant 6 : i32
      %parallel_loop3A_465 = arith.shrsi %parallel_loop3A_463, %parallel_loop3A_464 : i32
      %parallel_loop3A_466 = arith.constant 63 : i32
      %parallel_loop3A_467 = arith.andi %parallel_loop3A_463, %parallel_loop3A_466 : i32
      %parallel_loop3A_468 = arith.constant 16 : i32
      %parallel_loop3A_469 = arith.muli %parallel_loop3A_467, %parallel_loop3A_468 : i32
      %parallel_loop3A_470 = arith.index_cast %parallel_loop3A_465 : i32 to index
      %parallel_loop3A_471 = arith.index_cast %parallel_loop3A_469 : i32 to index
      %parallel_loop3A_472 = tpu.vector_load %arg18[%parallel_loop3A_470, %parallel_loop3A_471] {strides = array<i32>} : memref<16x1024xf32, #tpu.memory_space<vmem>>, vector<1x16xf32>,
      %parallel_loop3A_473 = vector.shape_cast %parallel_loop3A_472 : vector<1x16xf32> to vector<16xf32>
      %parallel_loop3A_474 = arith.index_cast %parallel_loop3A_465 : i32 to index
      %parallel_loop3A_475 = arith.index_cast %parallel_loop3A_469 : i32 to index
      %parallel_loop3A_476 = tpu.vector_load %arg21[%parallel_loop3A_474, %parallel_loop3A_475] {strides = array<i32>} : memref<16x1024xf32, #tpu.memory_space<vmem>>, vector<1x16xf32>,
      %parallel_loop3A_477 = vector.shape_cast %parallel_loop3A_476 : vector<1x16xf32> to vector<16xf32>
      %parallel_loop3A_478 = arith.addf %parallel_loop3A_473, %parallel_loop3A_477 : vector<16xf32>
      %parallel_loop3A_479 = arith.index_cast %parallel_loop3A_465 : i32 to index
      %parallel_loop3A_480 = arith.index_cast %parallel_loop3A_469 : i32 to index
      %parallel_loop3A_481 = tpu.vector_load %arg18[%parallel_loop3A_479, %parallel_loop3A_480] {strides = array<i32>} : memref<16x1024xf32, #tpu.memory_space<vmem>>, vector<1x16xf32>,
      %parallel_loop3A_482 = vector.shape_cast %parallel_loop3A_481 : vector<1x16xf32> to vector<16xf32>
      %parallel_loop3A_483 = vector.shape_cast %parallel_loop3A_478 : vector<16xf32> to vector<1x16xf32>
      tpu.vector_store %arg18[%parallel_loop3A_479, %parallel_loop3A_480], %parallel_loop3A_483 {strides = array<i32>} : memref<16x1024xf32, #tpu.memory_space<vmem>>, vector<1x16xf32>,
    } {sc.loop_unroll_factor = 8 : i64, sc.parallel_access}
    %dma_start3A_446 = arith.constant 0 : i32
    %dma_start3A_447 = arith.constant 0 : i32
    %dma_start3A_448 = tpu.memref_slice %arg6[%dma_start3A_446, %dma_start3A_447] : memref<4112x1024xf32, #tpu.memory_space<hbm>> -> memref<4112x1024xf32, #tpu.memory_space<hbm>>
    tpu.enqueue_indirect_dma source(%arg18 : memref<16x1024xf32, #tpu.memory_space<vmem>>) target(%dma_start3A_448 : memref<4112x1024xf32, #tpu.memory_space<hbm>>) offsets(%arg15 : memref<16xi32, #tpu.memory_space<vmem>>) semaphore(%arg32 : memref<!tpu.dma_semaphore, #tpu.memory_space<semaphore_mem>>)
    %dma_wait3A_449 = arith.constant 0 : i32
    %dma_wait3A_450 = arith.constant 0 : i32
    %dma_wait3A_451 = tpu.memref_slice %arg6[%dma_wait3A_449, %dma_wait3A_450] : memref<4112x1024xf32, #tpu.memory_space<hbm>> -> memref<4112x1024xf32, #tpu.memory_space<hbm>>
    tpu.wait_indirect_dma semaphore(%arg33 : memref<!tpu.dma_semaphore, #tpu.memory_space<semaphore_mem>>) src(%arg19 : memref<16x1024xf32, #tpu.memory_space<vmem>>) dst(%dma_wait3A_451 : memref<4112x1024xf32, #tpu.memory_space<hbm>>)
    %dma_wait3A_452 = arith.constant 0 : i32
    %dma_wait3A_453 = arith.constant 0 : i32
    %dma_wait3A_454 = tpu.memref_slice %arg6[%dma_wait3A_452, %dma_wait3A_453] : memref<4112x1024xf32, #tpu.memory_space<hbm>> -> memref<4112x1024xf32, #tpu.memory_space<hbm>>
    tpu.wait_indirect_dma semaphore(%arg31 : memref<!tpu.dma_semaphore, #tpu.memory_space<semaphore_mem>>) src(%arg17 : memref<16x1024xf32, #tpu.memory_space<vmem>>) dst(%dma_wait3A_454 : memref<4112x1024xf32, #tpu.memory_space<hbm>>)
    %dma_wait3A_455 = arith.constant 0 : i32
    %dma_wait3A_456 = arith.constant 0 : i32
    %dma_wait3A_457 = tpu.memref_slice %arg6[%dma_wait3A_455, %dma_wait3A_456] : memref<4112x1024xf32, #tpu.memory_space<hbm>> -> memref<4112x1024xf32, #tpu.memory_space<hbm>>
    tpu.wait_indirect_dma semaphore(%arg32 : memref<!tpu.dma_semaphore, #tpu.memory_space<semaphore_mem>>) src(%arg18 : memref<16x1024xf32, #tpu.memory_space<vmem>>) dst(%dma_wait3A_457 : memref<4112x1024xf32, #tpu.memory_space<hbm>>)
    %eq3A_458 = arith.constant 0 : i32
    %eq3A_459 = arith.cmpi eq, %add3A, %eq3A_458 : i32
    %convert_element_type3A_460 = arith.extui %eq3A_459 : i1 to i32
    %cond3A_461 = arith.constant 0 : i32
    %cond3A_462 = arith.cmpi ne, %convert_element_type3A_460, %cond3A_461 : i32
    scf.if %cond3A_462 {
      %dma_wait3A_463 = arith.constant 0 : i32
      %dma_wait3A_464 = arith.constant 0 : i32
      %dma_wait3A_465 = tpu.memref_slice %arg6[%dma_wait3A_463, %dma_wait3A_464] : memref<4112x1024xf32, #tpu.memory_space<hbm>> -> memref<16x1024xf32, #tpu.memory_space<hbm>>
      %dma_wait3A_466 = arith.constant 0 : i32
      %dma_wait3A_467 = arith.constant 0 : i32
      %dma_wait3A_468 = tpu.memref_slice %arg6[%dma_wait3A_466, %dma_wait3A_467] : memref<4112x1024xf32, #tpu.memory_space<hbm>> -> memref<16x1024xf32, #tpu.memory_space<hbm>>
      tpu.wait_dma2 semaphore(%arg34 : memref<!tpu.dma_semaphore, #tpu.memory_space<semaphore_mem>>) src(%arg23 : memref<16x1024xf32, #tpu.memory_space<vmem>>) dst(%dma_wait3A_468 : memref<16x1024xf32, #tpu.memory_space<hbm>>)
    } else {
    }
    return
  }
}

</mosaic_0001>

<sc_bundles>
// kernel: _run.3.cloned.1.call-start
scs
__scs_entry_jumppad:
0x0: {  	(pc) =	sbr.rel $0x88, $3  }
0x1: {  	(tag) =	ssettag $0x0;
	lr =	simm.s32 $0x1  }
0x2: {  	[smem:$0x3F9D] =	sst lr;
	_ =	strace $0xD0000000  }
0x3: {  	_ = 	snop  }
0x4: {  	_ = 	snop  }
0x5: {  	_ = 	snop  }
0x6: {  	_ = 	snop  }
0x7: {  	_ = 	snop  }
__scs_overlays_trampoline_lowered:
0x8: {  	[smem:$0x3FAC] =	sst s0  }
0x9: {  	[smem:$0x3FAD] =	sst s1  }
0xa: {  	[smem:$0x3FAE] =	sst s2  }
0xb: {  	[smem:$0x3FAF] =	sst s3  }
0xc: {  	[smem:$0x3FB0] =	sst s4  }
0xd: {  	[smem:$0x3FB1] =	sst s5  }
0xe: {  	[smem:$0x3FB2] =	sst s6  }
0xf: {  	[smem:$0x3FB3] =	sst s7  }
0x10: {  	[smem:$0x3FB4] =	sst s8  }
0x11: {  	[smem:$0x3FB5] =	sst s9;
	s0 =	simm.s32 @!p0 $0x0  }
0x12: {  	s1 =	sld [smem:$0x3F9B];
	s0 =	simm.s32 @p0 $0x1  }
0x13: {  	[smem:$0x3FB6] =	sst s0;
	s0 =	simm.s32 @!p1 $0x0  }
0x14: {  	s2 =	sld [smem:$0x3F9A];
	s0 =	simm.s32 @p1 $0x1  }
0x15: {  	[smem:$0x3FB7] =	sst s0;
	s0 =	simm.s32 @!p2 $0x0  }
0x16: {  	s3 =	sld [smem:$0x3FDB];
	s0 =	simm.s32 @p2 $0x1  }
0x17: {  	s4 =	simm.s32 $0x1BF5;
	[smem:$0x3FB9] =	sst s0  }
0x18: {  	s0 =	sld [smem:$0x3F9C];
	_ =	swait.ge [sflag:s4], $0x0  }
0x19: {  	s7 =	sld [smem:$0x3F9D]  }
0x1a: {  	s8 =	sadd.s32 $0xFFFFE003, lr  }
0x1b: {  	s9 =	sadd.s32 $0xFFFFFEF7, lr;
	s5 =	simm.s32 $0xFFFFFFFF;
	p2 =	slt.u32 s8, $0xFFFFF086  }
0x1c: {  	p1 =	slt.u32 s9, $0xF7A;
	s5 =	simm.s32 @!p2 $0x0  }
0x1d: {  	s5 =	simm.s32 @p1 $0x1;
	p0 =	seq.s32 s7, s2  }
0x1e: {  	s7 =	smul.u32 @!p0 $0xF7A, s2;
	p2 =	seq.s32 @!p0 s5, $0x0  }
0x1f: {  	s9 =	smul.u32 $0xF7A, s1;
	s8 =	simm.s32 @!p0 $0x1BF5;
	p2 =	por !p2, p0  }
0x20: {  	[sflag:s8] =	ssyncset.s32 @!p0 $0xFFFFF086;
	s6 =	sadd.s32 @!p0 s3, s7;
	s7 =	simm.s32 @!p0 $0x108  }
0x21: {  	s3 =	sadd.s32 s3, s9;
	s6 =	sadd.s32 @!p0 $0x88, s6;
	s7 =	simm.s32 @p2 $0x1082  }
0x22: {  	[simem:s7], [sflag:s8] =	dma.local @!p0 [hbm:s6], $0xF7A  }
0x23: {  	s9 =	sor.u32 $0xD0000000, s2;
	s6 =	simm.s32 $0x108;
	_ =	swait.ge @!p0 [sflag:s8], $0x0  }
0x24: {  	s3 =	sadd.s32 $0x88, s3;
	s6 =	simm.s32 @!p1 $0x1082;
	[sflag:s4] =	ssyncset.s32 $0xFFFFF086  }
0x25: {  	[simem:s6], [sflag:s4] =	dma.local [hbm:s3], $0xF7A  }
0x26: {  	[smem:$0x3F9D] =	sst s1;
	(tag) =	ssettag s2;
	_ =	strace s9  }
0x27: {  	s1 =	sld [smem:$0x3FAD]  }
0x28: {  	s2 =	sld [smem:$0x3FAE]  }
0x29: {  	s4 =	sld [smem:$0x3FB0]  }
0x2a: {  	p0 =	seq.s32 s5, $0x0;
	s5 =	sld [smem:$0x3FB1]  }
0x2b: {  	s6 =	sld [smem:$0x3FB2]  }
0x2c: {  	s7 =	sld [smem:$0x3FB3]  }
0x2d: {  	s3 =	simm.s32 $0x108;
	s8 =	sld [smem:$0x3FB4]  }
0x2e: {  	s3 =	simm.s32 @!p0 $0x1082;
	s9 =	sld [smem:$0x3FB5]  }
0x2f: {  	lr =	sadd.s32 s0, s3;
	s0 =	sld [smem:$0x3FAC]  }
0x30: {  	s3 =	sld [smem:$0x3FAF]  }
0x31: {  	[smem:$0x3FB8] =	sst s10  }
0x32: {  	s10 =	sld [smem:$0x3FB6];
	_ =	sdelay $0x3  }
0x33: {  	p0 =	seq.s32 s10, $0x1;
	s10 =	sld [smem:$0x3FB8];
	_ =	sdelay $0x3  }
0x34: {  	[smem:$0x3FB8] =	sst s10  }
0x35: {  	s10 =	sld [smem:$0x3FB7];
	_ =	sdelay $0x3  }
0x36: {  	p1 =	seq.s32 s10, $0x1;
	s10 =	sld [smem:$0x3FB8];
	_ =	sdelay $0x3  }
0x37: {  	[smem:$0x3FB8] =	sst s10  }
0x38: {  	s10 =	sld [smem:$0x3FB9]  }
0x39: {  	_ = 	snop;
	(pc) =	sbr.ind lr, $3  }
0x3a: {  	_ = 	snop  }
0x3b: {  	_ = 	snop  }
0x3c: {  	p2 =	seq.s32 s10, $0x1;
	s10 =	sld [smem:$0x3FB8]  }
0x3d: {  	_ =	shalt  }
0x3e: {  	_ =	shalt  }
0x3f: {  	_ =	shalt  }
0x40: {  	_ =	shalt  }
0x41: {  	_ =	shalt  }
0x42: {  	_ =	shalt  }
0x43: {  	_ =	shalt  }
0x44: {  	_ =	shalt  }
0x45: {  	_ =	shalt  }
0x46: {  	_ =	shalt  }
0x47: {  	_ =	shalt  }
0x48: {  	_ =	shalt  }
0x49: {  	_ =	shalt  }
0x4a: {  	_ =	shalt  }
0x4b: {  	_ =	shalt  }
0x4c: {  	_ =	shalt  }
0x4d: {  	_ =	shalt  }
0x4e: {  	_ =	shalt  }
0x4f: {  	_ =	shalt  }
0x50: {  	_ =	shalt  }
0x51: {  	_ =	shalt  }
0x52: {  	_ =	shalt  }
0x53: {  	_ =	shalt  }
0x54: {  	_ =	shalt  }
0x55: {  	_ =	shalt  }
0x56: {  	_ =	shalt  }
0x57: {  	_ =	shalt  }
0x58: {  	_ =	shalt  }
0x59: {  	_ =	shalt  }
0x5a: {  	_ =	shalt  }
0x5b: {  	_ =	shalt  }
0x5c: {  	_ =	shalt  }
0x5d: {  	_ =	shalt  }
0x5e: {  	_ =	shalt  }
0x5f: {  	_ =	shalt  }
0x60: {  	_ =	shalt  }
0x61: {  	_ =	shalt  }
0x62: {  	_ =	shalt  }
0x63: {  	_ =	shalt  }
0x64: {  	_ =	shalt  }
0x65: {  	_ =	shalt  }
0x66: {  	_ =	shalt  }
0x67: {  	_ =	shalt  }
0x68: {  	_ =	shalt  }
0x69: {  	_ =	shalt  }
0x6a: {  	_ =	shalt  }
0x6b: {  	_ =	shalt  }
0x6c: {  	_ =	shalt  }
0x6d: {  	_ =	shalt  }
0x6e: {  	_ =	shalt  }
0x6f: {  	_ =	shalt  }
0x70: {  	_ =	shalt  }
0x71: {  	_ =	shalt  }
0x72: {  	_ =	shalt  }
0x73: {  	_ =	shalt  }
0x74: {  	_ =	shalt  }
0x75: {  	_ =	shalt  }
0x76: {  	_ =	shalt  }
0x77: {  	_ =	shalt  }
0x78: {  	_ =	shalt  }
0x79: {  	_ =	shalt  }
0x7a: {  	_ =	shalt  }
0x7b: {  	_ =	shalt  }
0x7c: {  	_ =	shalt  }
0x7d: {  	_ =	shalt  }
0x7e: {  	_ =	shalt  }
0x7f: {  	_ =	shalt  }
0x80: {  	_ =	shalt  }
0x81: {  	_ =	shalt  }
0x82: {  	_ =	shalt  }
0x83: {  	_ =	shalt  }
0x84: {  	_ =	shalt  }
0x85: {  	_ =	shalt  }
0x86: {  	_ =	shalt  }
0x87: {  	_ =	shalt  }
.Lfunc_end0:
.L_simem_size_0:
called_computation_lowered:
.L_overlay_start_0:
0x88: {  	s2 =	sld [smem:$0x3FD9]  }
0x89: {  	s3 =	sld [smem:$0x3FFE];
	_ =	sdelay $0x1  }
0x8a: {  	s1 =	srdreg.scid  }
0x8b: {  	s0 =	sand.u32 $0x1, s1  }
0x8c: {  	s18 =	sshll.u32 s0, $0xA;
	s2 =	sadd.s32 s3, s2  }
0x8d: {  	s2 =	sadd.s32 s2, s18  }
0x8e: {  	[smem:$0x3FC4] =	sst s2  }
0x8f: {  	_ = 	snop  }
0x90: {  	s2 =	sld [smem:$0x3FC9]  }
0x91: {  	s19 =	sld [smem:$0x3FC8]  }
0x92: {  	s4 =	sld [smem:$0x3FC7]  }
0x93: {  	s5 =	sld [smem:$0x3FC6]  }
0x94: {  	s6 =	sld [smem:$0x3FD0];
	(tm) =	ssettm $0x1  }
0x95: {  	s7 =	sld [smem:$0x3FFB];
	_ =	sdelay $0x3  }
0x96: {  	_ =	strace s7  }
0x97: {  	s7 =	sld [smem:$0x3FFC];
	_ =	sdelay $0x3  }
0x98: {  	_ =	strace s7  }
0x99: {  	s7 =	sld [smem:$0x3FFD];
	_ =	sdelay $0x3  }
0x9a: {  	_ =	strace s7  }
0x9b: {  	_ =	strace $0x8FFFFFFF  }
0x9c: {  	s20 =	sld [smem:$0x3FDB];
	_ =	sdelay $0x1  }
0x9d: {  	s8 =	simm.s32 $_scs_section_size  }
0x9e: {  	s9 =	simm.s32 $_size__tile_overlayer_lowered;
	s10 =	simm.s32 $_tile_overlayer_lowered  }
0x9f: {  	s23 =	simm.s32 $0x1BFF;
	s22 =	sshll.u32 s10, $0x1;
	s7 =	sadd.s32 s8, s20  }
0xa0: {  	s11 =	simm.s32 $0x0;
	s21 =	sshll.u32 s9, $0x1;
	s9 =	sadd.s32 s22, s7  }
0xa1: {  	[timem:s11], [sflag:s23] =	dma.local [hbm:s9], s21  }
0xa2: {  	_ =	swait.ge [sflag:s23], s21  }
0xa3: {  	s8 =	ssub.s32 $0x0, s21;
	[sflag:s23] =	ssyncset.done $0x0  }
0xa4: {  	[sflag:s23] =	ssyncadd.s32 s8;
	_ =	sdelay $0x1  }
0xa5: {  	s24 =	simm.s32 $0x1B8B  }
0xa6: {  	_ =	swait.ge [sflag:s24], $0x1  }
0xa7: {  	[sflag:s24] =	ssyncset.done $0x0  }
0xa8: {  	s25 =	simm.s32 $0x1B8E;
	[sflag:s24] =	ssyncadd.s32 $0xFFFFFFFF  }
0xa9: {  	s26 =	simm.s32 $execute0_lowered;
	[smem:$0x3FD2] =	sst s25  }
0xaa: {  	s8 =	sshll.u32 s26, $0x1;
	_ =	strace $0x80000046;
	[dreg:$0x1] =	wrdreg $0xFFFFFFFF  }
0xab: {  	s28 =	simm.s32 $_size_execute0_lowered;
	s7 =	sadd.s32 s7, s8;
	[dreg:$0x0] =	wrdreg $0x0  }
0xac: {  	s8 =	sshll.u32 s28, $0x1;
	[dreg:$0x2] =	wrdreg s7  }
0xad: {  	[dreg:$0x3] =	wrdreg s8  }
0xae: {  	[dreg:$0x4] =	wrdreg $0xC0  }
0xaf: {  	_ =	task [dreg:s11], $0x5FFFF  }
0xb0: {  	[dreg:$0x1] =	wrdreg $0xFFFFFFFF  }
0xb1: {  	[dreg:$0x0] =	wrdreg $0x60  }
0xb2: {  	[dreg:$0x2] =	wrdreg s2  }
0xb3: {  	[dreg:$0x3] =	wrdreg s19  }
0xb4: {  	[dreg:$0x4] =	wrdreg s4  }
0xb5: {  	[dreg:$0x5] =	wrdreg s5  }
0xb6: {  	[dreg:$0x6] =	wrdreg s6  }
0xb7: {  	[dreg:$0x7] =	wrdreg $0x9  }
0xb8: {  	_ =	task.clear_ibuf [dreg:s11], $0x8FFFF;
	_ =	strace $0x90000046  }
0xb9: {  	s29 =	simm.s32 $0x9;
	_ =	strace $0x80000048  }
0xba: {  	_ =	swait.ge [sflag:s29], $0x1  }
0xbb: {  	[sflag:s29] =	ssyncadd.s32 $0xFFFFFFFF  }
0xbc: {  	_ =	strace $0x90000048  }
0xbd: {  	_ =	sfence  }
0xbe: {  	s30 =	sld [smem:$0x0];
	_ =	sdelay $0x2  }
0xbf: {  	s31 =	sshll.u32 s1, $0xD;
	s1 =	sshrl.u32 s1, $0x2  }
0xc0: {  	s3 =	sand.u32 $0x4000, s31;
	s1 =	sadd.s32 s1, s30  }
0xc1: {  	s0 =	sor.u32 s3, s0;
	s1 =	sshll.u32 s1, $0x11  }
0xc2: {  	s0 =	sor.u32 s1, s0  }
0xc3: {  	s0 =	sadd.s32 $0x8F2B, s0  }
0xc4: {  	[sflag:s0] =	ssyncadd.remote.s32 $0x1  }
0xc5: {  	_ =	sfence.sel $0xFFFF  }
0xc6: {  	[dreg:$0x0] =	wrdreg $0xFFFFFFFF;
	(pc) =	sbr.abs _section_cstart, $3  }
0xc7: {  	[dreg:$0x1] =	wrdreg $0xFFFFFFFF  }
0xc8: {  	_ =	task.clear_ibuf [dreg:s11], $0x2FFFF;
	_ =	strace $0x9FFFFFFF  }
0xc9: {  	(tm) =	ssettm $0x7FFFFFFF  }
tec
execute0_lowered:
.L_overlay_start_1:
0x0: {  	(tag) =	ssettag $0x1  }
0x1: {  	s1 =	rddreg [dreg:$0x0]  }
0x2: {  	s3 =	rddreg [dreg:$0x1]  }
0x3: {  	s0 =	srdreg.scid;
	s2 =	rddreg [dreg:$0x2]  }
0x4: {  	s9 =	stileid.u32;
	s25 =	rddreg [dreg:$0x3]  }
0x5: {  	s5 =	rddreg [dreg:$0x4];
	s0 =	sand.u32 $0x1, s0;
	s4 =	sshll.u32 s9, $0x1  }
0x6: {  	s6 =	simm.s32 $0x0;
	s7 =	simm.s32 $0x1;
	s4 =	sor.u32 s0, s4  }
0x7: {  	s29 =	simm.s32 $0x5;
	p1 =	seq.s32 s0, $0x1;
	p0 =	seq.s32 s4, $0x0  }
0x8: {  	s30 =	simm.s32 $0x7;
	s31 =	simm.s32 $0x9;
	p0 =	por !p0, !p1  }
0x9: {  	[smem:$0x7FF] =	sst s6;
	s0 =	ssub.s32 $0x2, s0;
	p0 =	por !p0, !p0  }
0xa: {  	s12 =	sadd.s32 $0x100, s2;
	s8 =	sshrl.u32 s0, $0x1;
	s7 =	simm.s32 @!p0 $0x0  }
0xb: {  	s13 =	sadd.s32 $0x200, s2;
	s8 =	ssub.s32 s0, s8;
	s0 =	ssub.s32 s9, s7  }
0xc: {  	s24 =	sshll.u32 s4, $0x7;
	s11 =	sshll.u32 s4, $0x4;
	s10 =	sshll.u32 s0, $0x8  }
0xd: {  	v11 =	vlaneseq.u32;
	s28 =	sadd.s32 s3, s11;
	p0 =	sne.s32 s4, $0x0;
	s15 =	ssub.s32 s24, s10  }
0xe: {  	vm0 =	vmmov $0xffff;
	v8 =	vmul.u32 $0x10, v11;
	v10 =	vshrl.u32 v11, $0x3;
	s19 =	sshll.u32 s0, $0x9;
	s20 =	sor.u32 $0x1, s15;
	s21 =	sor.u32 $0x11, s15  }
0xf: {  	v0 =	vmov s19;
	s22 =	sor.u32 $0x21, s15;
	s23 =	sor.u32 $0x31, s15;
	s24 =	sor.u32 $0x41, s15;
	v1 =	vmov s20;
	v2 =	vmov s21  }
0x10: {  	s26 =	sor.u32 $0x51, s15;
	s4 =	sor.u32 $0x61, s15;
	s3 =	sor.u32 $0x71, s15;
	v3 =	vmov s22;
	v4 =	vmov s23;
	v5 =	vmov s24  }
0x11: {  	s14 =	sadd.s32 $0x300, s2;
	s16 =	sadd.s32 $0x100, s5;
	s17 =	sadd.s32 $0x200, s5;
	v6 =	vmov s26;
	v7 =	vmov s4;
	v9 =	vmov s3  }
0x12: {  	s18 =	sadd.s32 $0x300, s5;
	_ =	strace $0x80000047;
	s11 =	sadd.s32 $0x300, s1;
	v1 =	vshll.u32 v1, $0x4;
	v2 =	vshll.u32 v2, $0x4;
	v3 =	vshll.u32 v3, $0x4  }
0x13: {  	s7 =	simm.s32 $0x1;
	s15 =	smax.u32 s8, $0x1;
	s8 =	sadd.s32 $0x10, s25;
	v4 =	vshll.u32 v4, $0x4;
	v5 =	vshll.u32 v5, $0x4;
	v6 =	vshll.u32 v6, $0x4  }
0x14: {  	s9 =	sadd.s32 $0x100, s1;
	[dreg:$0x6] =	wrdreg s8;
	s8 =	sadd.s32 $0x20, s25;
	v7 =	vshll.u32 v7, $0x4;
	v9 =	vshll.u32 v9, $0x4;
	v1 =	vadd.s32 v8, v1  }
0x15: {  	s10 =	sadd.s32 $0x200, s1;
	[dreg:$0x7] =	wrdreg s8;
	s8 =	sadd.s32 $0x30, s25;
	v2 =	vadd.s32 v8, v2;
	v3 =	vadd.s32 v8, v3;
	v4 =	vadd.s32 v8, v4  }
0x16: {  	s19 =	simm.s32 $0x0;
	[dreg:$0x8] =	wrdreg s8;
	s8 =	sadd.s32 $0x40, s25;
	v5 =	vadd.s32 v8, v5;
	v6 =	vadd.s32 v8, v6;
	v7 =	vadd.s32 v8, v7  }
0x17: {  	s26 =	simm.s32 $0x4;
	v8 =	vadd.s32 v8, v9;
	[dreg:$0x9] =	wrdreg s8;
	s8 =	sadd.s32 $0x50, s25;
	v1 =	vadd.s32 s0, v1;
	v2 =	vadd.s32 s0, v2  }
0x18: {  	s4 =	simm.s32 $0x8;
	v3 =	vadd.s32 s0, v3;
	v4 =	vadd.s32 s0, v4;
	v5 =	vadd.s32 s0, v5;
	[dreg:$0xa] =	wrdreg s8;
	s8 =	sadd.s32 $0x60, s25  }
0x19: {  	v6 =	vadd.s32 s0, v6;
	v7 =	vadd.s32 s0, v7;
	v8 =	vadd.s32 s0, v8;
	s0 =	simm.s32 $0x6;
	s25 =	sadd.s32 $0x70, s25;
	[dreg:$0xb] =	wrdreg s8  }
0x1a: {  	v10 =	vmul.u32 $0x8, v10;
	v9 =	vand.u32 $0x7, v11;
	v11 =	vor.u32 $0x8, v11;
	[dreg:$0xc] =	wrdreg s25;
	s25 =	smov.u32 s28;
	s28 =	simm.s32 $0x2  }
.LBB2_1:
0x1b: {  	[tilespmem:s6], [sflag:$0xB] =	stream.linear.gather [hbm4b:s25+s6], $0x80, $0x38;
	[tilespmem:$0x1C900] =	vst v63  }
.Ltmp0:
0x1c: {  	_ = 	snop;
	(pc) =	sbr.rel @p0 .LBB2_7-.Ltmp0, $4  }
0x1d: {  	s3 =	simm.s32 $0xB  }
0x1e: {  	_ =	swait.ge [sflag:s3], $0x80  }
0x1f: {  	[sflag:s3] =	ssyncset.done $0x0  }
0x20: {  	[sflag:s3] =	ssyncadd.s32 $0xFFFFFF80  }
0x21: {  	s8 =	simm.s32 $0x80;
	s20 =	simm.s32 $0x400;
	s21 =	simm.s32 $0x1C500  }
0x22: {  	[tilespmem:s21], [sflag:$0xB] =	stream.strided.gather [hbm4b:s2+s8], $0x400, s20, s8, $0x38;
	[tilespmem:$0x1C900] =	vst v63  }
0x23: {  	s20 =	simm.s32 $0xB  }
0x24: {  	_ =	swait.ge [sflag:s20], $0x400  }
0x25: {  	[sflag:s20] =	ssyncset.done $0x0  }
0x26: {  	[sflag:s20] =	ssyncadd.s32 $0xFFFFFC00  }
0x27: {  	s3 =	smov.u32 s15;
	s23 =	simm.s32 $0x18500;
	s22 =	rddreg [dreg:$0x3]  }
0x28: {  	[tilespmem:s23], [sflag:$0xB] =	stream.linear.gather [hbm4b:s22+s6], $0x80, $0x38;
	[tilespmem:$0x1C900] =	vst v63  }
0x29: {  	s15 =	smov.u32 s25;
	s25 =	simm.s32 $0x18900;
	s24 =	rddreg [dreg:$0x6]  }
0x2a: {  	[tilespmem:s25], [sflag:$0xB] =	stream.linear.gather [hbm4b:s24+s6], $0x80, $0x38;
	[tilespmem:$0x1C900] =	vst v63  }
0x2b: {  	s22 =	rddreg [dreg:$0x7];
	s23 =	simm.s32 $0x18D00  }
0x2c: {  	[tilespmem:s23], [sflag:$0xB] =	stream.linear.gather [hbm4b:s22+s6], $0x80, $0x38;
	[tilespmem:$0x1C900] =	vst v63  }
0x2d: {  	s24 =	rddreg [dreg:$0x8];
	s25 =	simm.s32 $0x19100  }
0x2e: {  	[tilespmem:s25], [sflag:$0xB] =	stream.linear.gather [hbm4b:s24+s6], $0x80, $0x38;
	[tilespmem:$0x1C900] =	vst v63  }
0x2f: {  	s22 =	rddreg [dreg:$0x9];
	s23 =	simm.s32 $0x19500  }
0x30: {  	[tilespmem:s23], [sflag:$0xB] =	stream.linear.gather [hbm4b:s22+s6], $0x80, $0x38;
	[tilespmem:$0x1C900] =	vst v63  }
0x31: {  	s24 =	rddreg [dreg:$0xa];
	s25 =	simm.s32 $0x19900  }
0x32: {  	[tilespmem:s25], [sflag:$0xB] =	stream.linear.gather [hbm4b:s24+s6], $0x80, $0x38;
	[tilespmem:$0x1C900] =	vst v63  }
0x33: {  	s22 =	rddreg [dreg:$0xb];
	s23 =	simm.s32 $0x19D00  }
0x34: {  	[tilespmem:s23], [sflag:$0xB] =	stream.linear.gather [hbm4b:s22+s6], $0x80, $0x38;
	[tilespmem:$0x1C900] =	vst v63  }
0x35: {  	s24 =	rddreg [dreg:$0xc];
	s25 =	simm.s32 $0x1A100  }
0x36: {  	[tilespmem:s25], [sflag:$0xB] =	stream.linear.gather [hbm4b:s24+s6], $0x80, $0x38;
	[tilespmem:$0x1C900] =	vst v63  }
0x37: {  	_ =	swait.ge [sflag:s20], $0x400  }
0x38: {  	[sflag:s20] =	ssyncset.done $0x0  }
0x39: {  	[sflag:s20] =	ssyncadd.s32 $0xFFFFFC00;
	s20 =	simm.s32 $0x18540  }
0x3a: {  	s22 =	simm.s32 $0x1C540;
	v13 =	vld [tilespmem:s20+$0x30]  }
0x3b: {  	v14 =	vld [tilespmem:s22+$0x30]  }
0x3c: {  	v12 =	vld [tilespmem:s22+$0xFFFFFFC0]  }
0x3d: {  	v15 =	vld [tilespmem:s20+$0xFFFFFFD0]  }
0x3e: {  	v16 =	vld [tilespmem:s22+$0xFFFFFFD0]  }
0x3f: {  	v17 =	vld [tilespmem:s20+$0xFFFFFFE0]  }
0x40: {  	v18 =	vld [tilespmem:s22+$0xFFFFFFE0]  }
0x41: {  	v19 =	vld [tilespmem:s20+$0xFFFFFFF0]  }
0x42: {  	v20 =	vld [tilespmem:s22+$0xFFFFFFF0]  }
0x43: {  	v21 =	vld [tilespmem:s20+$0x0]  }
0x44: {  	v22 =	vld [tilespmem:s22+$0x0];
	v14 =	vadd.f32 v14, v13  }
0x45: {  	v16 =	vadd.f32 v16, v15;
	v13 =	vld [tilespmem:s20+$0x10]  }
0x46: {  	v17 =	vadd.f32 v18, v17;
	v15 =	vld [tilespmem:s22+$0x10];
	[tilespmem:s20+$0x30] =	vst v14  }
0x47: {  	v18 =	vadd.f32 v20, v19;
	[tilespmem:s20+$0xFFFFFFD0] =	vst v16;
	v14 =	vld [tilespmem:s20+$0x20]  }
0x48: {  	[tilespmem:s20+$0xFFFFFFE0] =	vst v17;
	v17 =	vld [tilespmem:s22+$0x20]  }
0x49: {  	s23 =	simm.s32 $0x0;
	s24 =	simm.s32 $0x18940;
	v16 =	vld [tilespmem:s20+$0xFFFFFFC0];
	[tilespmem:s20+$0xFFFFFFF0] =	vst v18;
	v18 =	vadd.f32 v22, v21  }
.LBB2_3:
0x4a: {  	v19 =	vld [tilespmem:s24+$0x30];
	s22 =	sadd.s32 $0x80, s22  }
0x4b: {  	s23 =	sadd.s32 $0x8, s23;
	v20 =	vld [tilespmem:s22+$0x30];
	[tilespmem:s20+$0x0] =	vst v18;
	v13 =	vadd.f32 v15, v13  }
0x4c: {  	p1 =	slt.u32 s23, $0x38;
	v15 =	vld [tilespmem:s22+$0xFFFFFFC0]  }
0x4d: {  	v18 =	vld [tilespmem:s24+$0xFFFFFFD0];
	[tilespmem:s20+$0x10] =	vst v13;
	v13 =	vadd.f32 v17, v14  }
0x4e: {  	v14 =	vld [tilespmem:s22+$0xFFFFFFD0];
	v21 =	vadd.f32 v12, v16  }
0x4f: {  	v16 =	vld [tilespmem:s24+$0xFFFFFFE0];
	[tilespmem:s20+$0x20] =	vst v13  }
0x50: {  	v13 =	vld [tilespmem:s22+$0xFFFFFFE0];
	v17 =	vadd.f32 v20, v19;
	[tilespmem:s20+$0xFFFFFFC0] =	vst v21;
	s20 =	smov.u32 s24  }
0x51: {  	v19 =	vld [tilespmem:s24+$0xFFFFFFF0];
	v12 =	vmov v15  }
0x52: {  	s21 =	simm.s32 $0x0;
	v20 =	vld [tilespmem:s22+$0xFFFFFFF0];
	[tilespmem:s24+$0x30] =	vst v17  }
0x53: {  	v14 =	vadd.f32 v14, v18;
	v18 =	vld [tilespmem:s24+$0x0]  }
0x54: {  	v21 =	vld [tilespmem:s22+$0x0]  }
.Ltmp1:
0x55: {  	[tilespmem:s24+$0xFFFFFFD0] =	vst v14;
	v14 =	vadd.f32 v13, v16;
	v13 =	vld [tilespmem:s24+$0x10];
	(pc) =	sbr.rel @p1 .LBB2_3-.Ltmp1, $4  }
0x56: {  	v15 =	vld [tilespmem:s22+$0x10]  }
0x57: {  	[tilespmem:s24+$0xFFFFFFE0] =	vst v14;
	v19 =	vadd.f32 v20, v19;
	v14 =	vld [tilespmem:s24+$0x20]  }
0x58: {  	v17 =	vld [tilespmem:s22+$0x20]  }
0x59: {  	s24 =	sadd.s32 $0x400, s24;
	v16 =	vld [tilespmem:s20+$0xFFFFFFC0];
	[tilespmem:s20+$0xFFFFFFF0] =	vst v19;
	v18 =	vadd.f32 v21, v18  }
0x5a: {  	_ =	sdelay $0x1  }
0x5b: {  	v13 =	vadd.f32 v15, v13  }
0x5c: {  	[tilespmem:s20+$0x0] =	vst v18;
	v14 =	vadd.f32 v17, v14  }
0x5d: {  	[tilespmem:s20+$0x10] =	vst v13;
	v12 =	vadd.f32 v12, v16  }
0x5e: {  	[tilespmem:s20+$0x20] =	vst v14  }
0x5f: {  	[tilespmem:s20+$0xFFFFFFC0] =	vst v12;
	s20 =	sand.u32 $0x1C00, s21  }
0x60: {  	v17 =	vld [tilespmem:s20+$0x18570]  }
0x61: {  	s22 =	simm.s32 $0x400;
	s23 =	simm.s32 $0x80;
	v12 =	vld [tilespmem:s20+$0x18500]  }
0x62: {  	s22 =	sand.u32 $0x6000, s22;
	s23 =	sand.u32 $0x380, s23;
	v15 =	vld [tilespmem:s20+$0x18510]  }
0x63: {  	s22 =	sor.u32 s23, s22;
	s24 =	sadd.s32 $0x18500, s20;
	v16 =	vld [tilespmem:s20+$0x18520]  }
0x64: {  	v13 =	vld [tilespmem:s20+$0x18530];
	s22 =	sadd.s32 s22, s24  }
0x65: {  	s23 =	simm.s32 $0x0;
	v14 =	vld [tilespmem:s20+$0x18540];
	[tilespmem:s22+$0x70] =	vst v17  }
.LBB2_5:
0x66: {  	s23 =	sadd.s32 $0x8, s23;
	[tilespmem:s22+$0x0] =	vst v12;
	v17 =	vld [tilespmem:s20+$0x18550];
	s21 =	sadd.s32 $0x400, s21  }
0x67: {  	s24 =	sshrl.u32 s23, $0x6;
	p1 =	slt.u32 s23, $0x3B8;
	[tilespmem:s22+$0x10] =	vst v15;
	v18 =	vld [tilespmem:s20+$0x18560];
	s20 =	sand.u32 $0x1C00, s21  }
0x68: {  	s24 =	sadd.s32 $0x1, s24;
	v19 =	vld [tilespmem:s20+$0x18570];
	[tilespmem:s22+$0x20] =	vst v16  }
.Ltmp2:
0x69: {  	v12 =	vld [tilespmem:s20+$0x18500];
	s25 =	sshll.u32 s24, $0xA;
	s24 =	sshll.u32 s24, $0x7;
	[tilespmem:s22+$0x30] =	vst v13;
	(pc) =	sbr.rel @p1 .LBB2_5-.Ltmp2, $4  }
0x6a: {  	s25 =	sand.u32 $0x6000, s25;
	s24 =	sand.u32 $0x380, s24;
	v15 =	vld [tilespmem:s20+$0x18510];
	[tilespmem:s22+$0x40] =	vst v14  }
0x6b: {  	s8 =	sadd.s32 $0x18500, s20;
	s24 =	sor.u32 s24, s25;
	v16 =	vld [tilespmem:s20+$0x18520];
	[tilespmem:s22+$0x50] =	vst v17  }
0x6c: {  	v13 =	vld [tilespmem:s20+$0x18530];
	[tilespmem:s22+$0x60] =	vst v18;
	s22 =	sadd.s32 s24, s8  }
0x6d: {  	v14 =	vld [tilespmem:s20+$0x18540];
	[tilespmem:s22+$0x70] =	vst v19  }
0x6e: {  	[tilespmem:s22+$0x0] =	vst v12;
	v62 =	vld [tilespmem:s20+$0x18550]  }
0x6f: {  	v63 =	vld [tilespmem:s20+$0x18560];
	[tilespmem:s22+$0x10] =	vst v15  }
0x70: {  	[tilespmem:s22+$0x20] =	vst v16  }
0x71: {  	[tilespmem:s22+$0x30] =	vst v13  }
0x72: {  	[tilespmem:s22+$0x40] =	vst v14  }
0x73: {  	[tilespmem:s22+$0x50] =	vst v62  }
0x74: {  	s8 =	simm.s32 $0x18500;
	s25 =	smov.u32 s15;
	s15 =	smov.u32 s3;
	[tilespmem:s22+$0x60] =	vst v63  }
0x75: {  	[hbm4b:s5+s6] =	stream.linear.scatter [tilespmem:s8], [sflag:$0xA], $0x4000, $0x38;
	[tilespmem:$0x1C900] =	vst v63  }
.LBB2_7:
0x76: {  	v12 =	vld [tilespmem:$0x0];
	_ =	sdelay $0x4  }
0x77: {  	v13 =	vadd.s32 v0, v12  }
0x78: {  	[tilespmem:$0x80] =	vst v13  }
0x79: {  	v13 =	vld [tilespmem:$0x80];
	_ =	sdelay $0x4  }
0x7a: {  	v14 =	vshll.u32 v13, $0x3  }
0x7b: {  	v13 =	vand.u32 $0x7, v13;
	v14 =	vand.u32 $0xFFFFFFC0, v14  }
0x7c: {  	v13 =	vor.u32 v13, v14  }
0x7d: {  	v14 =	vperm.xlane v13, v9;
	_ =	sdelay $0x1  }
0x7e: {  	v14 =	vadd.s32 v10, v14;
	_ =	sdelay $0x2  }
0x7f: {  	[tilespmem:$0x380] =	vst v1;
	v12 =	vadd.s32 $0x1, v12  }
0x80: {  	s20 =	simm.s32 $0x0;
	s3 =	simm.s32 $0x500;
	[tilespmem:$0x200] =	vst v12  }
0x81: {  	[tilespmem:s3], [sflag:$0x1] =	stream.indirect_vreg.gather [hbm4b:s1+s20], $0x80, v14, vm0, $0xb8;
	[tilespmem:$0x1C900] =	vst v63  }
0x82: {  	s8 =	simm.s32 $0xD00;
	v12 =	vperm.xlane v13, v11  }
0x83: {  	[tilespmem:s8], [sflag:$0x1] =	stream.indirect_vreg.gather [hbm4b:s9+s20], $0x80, v14, vm0, $0xb8;
	[tilespmem:$0x1C900] =	vst v63  }
0x84: {  	s21 =	simm.s32 $0x1500;
	v12 =	vadd.s32 v10, v12  }
0x85: {  	[tilespmem:s21], [sflag:$0x1] =	stream.indirect_vreg.gather [hbm4b:s10+s20], $0x80, v14, vm0, $0xb8;
	[tilespmem:$0x1C900] =	vst v63  }
0x86: {  	s22 =	simm.s32 $0x1D00  }
0x87: {  	[tilespmem:s22], [sflag:$0x1] =	stream.indirect_vreg.gather [hbm4b:s11+s20], $0x80, v14, vm0, $0xb8;
	[tilespmem:$0x1C900] =	vst v63  }
0x88: {  	s23 =	simm.s32 $0x2500  }
0x89: {  	[tilespmem:s23], [sflag:$0x1] =	stream.indirect_vreg.gather [hbm4b:s1+s20], $0x80, v12, vm0, $0xb8;
	[tilespmem:$0x1C900] =	vst v63  }
0x8a: {  	s24 =	simm.s32 $0x2D00  }
0x8b: {  	[tilespmem:s24], [sflag:$0x1] =	stream.indirect_vreg.gather [hbm4b:s9+s20], $0x80, v12, vm0, $0xb8;
	[tilespmem:$0x1C900] =	vst v63  }
0x8c: {  	s21 =	simm.s32 $0x3500  }
0x8d: {  	[tilespmem:s21], [sflag:$0x1] =	stream.indirect_vreg.gather [hbm4b:s10+s20], $0x80, v12, vm0, $0xb8;
	[tilespmem:$0x1C900] =	vst v63  }
0x8e: {  	s22 =	simm.s32 $0x3D00  }
0x8f: {  	[tilespmem:s22], [sflag:$0x1] =	stream.indirect_vreg.gather [hbm4b:s11+s20], $0x80, v12, vm0, $0xb8;
	[tilespmem:$0x1C900] =	vst v63  }
0x90: {  	v12 =	vld [tilespmem:$0x200];
	_ =	sdelay $0x4  }
0x91: {  	v13 =	vshll.u32 v12, $0x3  }
0x92: {  	v12 =	vand.u32 $0x7, v12;
	v13 =	vand.u32 $0xFFFFFFC0, v13  }
0x93: {  	v12 =	vor.u32 v12, v13  }
0x94: {  	v13 =	vperm.xlane v12, v9;
	_ =	sdelay $0x1  }
0x95: {  	v13 =	vadd.s32 v10, v13;
	_ =	sdelay $0x3  }
0x96: {  	s23 =	simm.s32 $0xC500  }
0x97: {  	[tilespmem:s23], [sflag:$0x4] =	stream.indirect_vreg.gather [hbm4b:s2+s20], $0x80, v13, vm0, $0xb8;
	[tilespmem:$0x1C900] =	vst v63  }
0x98: {  	s24 =	simm.s32 $0xCD00;
	v12 =	vperm.xlane v12, v11  }
0x99: {  	[tilespmem:s24], [sflag:$0x4] =	stream.indirect_vreg.gather [hbm4b:s12+s20], $0x80, v13, vm0, $0xb8;
	[tilespmem:$0x1C900] =	vst v63  }
0x9a: {  	s21 =	simm.s32 $0xD500;
	v12 =	vadd.s32 v10, v12  }
0x9b: {  	[tilespmem:s21], [sflag:$0x4] =	stream.indirect_vreg.gather [hbm4b:s13+s20], $0x80, v13, vm0, $0xb8;
	[tilespmem:$0x1C900] =	vst v63  }
0x9c: {  	s22 =	simm.s32 $0xDD00  }
0x9d: {  	[tilespmem:s22], [sflag:$0x4] =	stream.indirect_vreg.gather [hbm4b:s14+s20], $0x80, v13, vm0, $0xb8;
	[tilespmem:$0x1C900] =	vst v63  }
0x9e: {  	s23 =	simm.s32 $0xE500  }
0x9f: {  	[tilespmem:s23], [sflag:$0x4] =	stream.indirect_vreg.gather [hbm4b:s2+s20], $0x80, v12, vm0, $0xb8;
	[tilespmem:$0x1C900] =	vst v63  }
0xa0: {  	s24 =	simm.s32 $0xED00  }
0xa1: {  	[tilespmem:s24], [sflag:$0x4] =	stream.indirect_vreg.gather [hbm4b:s12+s20], $0x80, v12, vm0, $0xb8;
	[tilespmem:$0x1C900] =	vst v63  }
0xa2: {  	s21 =	simm.s32 $0xF500  }
0xa3: {  	[tilespmem:s21], [sflag:$0x4] =	stream.indirect_vreg.gather [hbm4b:s13+s20], $0x80, v12, vm0, $0xb8;
	[tilespmem:$0x1C900] =	vst v63  }
0xa4: {  	s22 =	simm.s32 $0xFD00  }
0xa5: {  	[tilespmem:s22], [sflag:$0x4] =	stream.indirect_vreg.gather [hbm4b:s14+s20], $0x80, v12, vm0, $0xb8;
	[tilespmem:$0x1C900] =	vst v63  }
0xa6: {  	v12 =	vld [tilespmem:$0x10];
	_ =	sdelay $0x4  }
0xa7: {  	v13 =	vadd.s32 v0, v12  }
0xa8: {  	[tilespmem:$0x100] =	vst v13  }
0xa9: {  	v13 =	vld [tilespmem:$0x100];
	_ =	sdelay $0x4  }
0xaa: {  	v14 =	vshll.u32 v13, $0x3  }
0xab: {  	v13 =	vand.u32 $0x7, v13;
	v14 =	vand.u32 $0xFFFFFFC0, v14  }
0xac: {  	v13 =	vor.u32 v13, v14  }
0xad: {  	v14 =	vperm.xlane v13, v9;
	_ =	sdelay $0x1  }
0xae: {  	v14 =	vadd.s32 v10, v14;
	_ =	sdelay $0x2  }
0xaf: {  	[tilespmem:$0x400] =	vst v2;
	v12 =	vadd.s32 $0x1, v12  }
0xb0: {  	s23 =	simm.s32 $0x4500;
	[tilespmem:$0x280] =	vst v12  }
0xb1: {  	[tilespmem:s23], [sflag:$0x2] =	stream.indirect_vreg.gather [hbm4b:s1+s20], $0x80, v14, vm0, $0xb8;
	[tilespmem:$0x1C900] =	vst v63  }
0xb2: {  	s24 =	simm.s32 $0x4D00;
	v12 =	vperm.xlane v13, v11  }
0xb3: {  	[tilespmem:s24], [sflag:$0x2] =	stream.indirect_vreg.gather [hbm4b:s9+s20], $0x80, v14, vm0, $0xb8;
	[tilespmem:$0x1C900] =	vst v63  }
0xb4: {  	s21 =	simm.s32 $0x5500;
	v12 =	vadd.s32 v10, v12  }
0xb5: {  	[tilespmem:s21], [sflag:$0x2] =	stream.indirect_vreg.gather [hbm4b:s10+s20], $0x80, v14, vm0, $0xb8;
	[tilespmem:$0x1C900] =	vst v63  }
0xb6: {  	s22 =	simm.s32 $0x5D00  }
0xb7: {  	[tilespmem:s22], [sflag:$0x2] =	stream.indirect_vreg.gather [hbm4b:s11+s20], $0x80, v14, vm0, $0xb8;
	[tilespmem:$0x1C900] =	vst v63  }
0xb8: {  	s23 =	simm.s32 $0x6500  }
0xb9: {  	[tilespmem:s23], [sflag:$0x2] =	stream.indirect_vreg.gather [hbm4b:s1+s20], $0x80, v12, vm0, $0xb8;
	[tilespmem:$0x1C900] =	vst v63  }
0xba: {  	s24 =	simm.s32 $0x6D00  }
0xbb: {  	[tilespmem:s24], [sflag:$0x2] =	stream.indirect_vreg.gather [hbm4b:s9+s20], $0x80, v12, vm0, $0xb8;
	[tilespmem:$0x1C900] =	vst v63  }
0xbc: {  	s21 =	simm.s32 $0x7500  }
0xbd: {  	[tilespmem:s21], [sflag:$0x2] =	stream.indirect_vreg.gather [hbm4b:s10+s20], $0x80, v12, vm0, $0xb8;
	[tilespmem:$0x1C900] =	vst v63  }
0xbe: {  	s22 =	simm.s32 $0x7D00  }
0xbf: {  	[tilespmem:s22], [sflag:$0x2] =	stream.indirect_vreg.gather [hbm4b:s11+s20], $0x80, v12, vm0, $0xb8;
	[tilespmem:$0x1C900] =	vst v63  }
0xc0: {  	v12 =	vld [tilespmem:$0x280];
	_ =	sdelay $0x4  }
0xc1: {  	v13 =	vshll.u32 v12, $0x3  }
0xc2: {  	v12 =	vand.u32 $0x7, v12;
	v13 =	vand.u32 $0xFFFFFFC0, v13  }
0xc3: {  	v12 =	vor.u32 v12, v13  }
0xc4: {  	v13 =	vperm.xlane v12, v9;
	_ =	sdelay $0x1  }
0xc5: {  	v13 =	vadd.s32 v10, v13;
	_ =	sdelay $0x3  }
0xc6: {  	s23 =	simm.s32 $0x10500  }
0xc7: {  	[tilespmem:s23], [sflag:$0x5] =	stream.indirect_vreg.gather [hbm4b:s2+s20], $0x80, v13, vm0, $0xb8;
	[tilespmem:$0x1C900] =	vst v63  }
0xc8: {  	s24 =	simm.s32 $0x10D00;
	v12 =	vperm.xlane v12, v11  }
0xc9: {  	[tilespmem:s24], [sflag:$0x5] =	stream.indirect_vreg.gather [hbm4b:s12+s20], $0x80, v13, vm0, $0xb8;
	[tilespmem:$0x1C900] =	vst v63  }
0xca: {  	s21 =	simm.s32 $0x11500;
	v12 =	vadd.s32 v10, v12  }
0xcb: {  	[tilespmem:s21], [sflag:$0x5] =	stream.indirect_vreg.gather [hbm4b:s13+s20], $0x80, v13, vm0, $0xb8;
	[tilespmem:$0x1C900] =	vst v63  }
0xcc: {  	s22 =	simm.s32 $0x11D00  }
0xcd: {  	[tilespmem:s22], [sflag:$0x5] =	stream.indirect_vreg.gather [hbm4b:s14+s20], $0x80, v13, vm0, $0xb8;
	[tilespmem:$0x1C900] =	vst v63  }
0xce: {  	s23 =	simm.s32 $0x12500  }
0xcf: {  	[tilespmem:s23], [sflag:$0x5] =	stream.indirect_vreg.gather [hbm4b:s2+s20], $0x80, v12, vm0, $0xb8;
	[tilespmem:$0x1C900] =	vst v63  }
0xd0: {  	s24 =	simm.s32 $0x12D00  }
0xd1: {  	[tilespmem:s24], [sflag:$0x5] =	stream.indirect_vreg.gather [hbm4b:s12+s20], $0x80, v12, vm0, $0xb8;
	[tilespmem:$0x1C900] =	vst v63  }
0xd2: {  	s21 =	simm.s32 $0x13500  }
0xd3: {  	[tilespmem:s21], [sflag:$0x5] =	stream.indirect_vreg.gather [hbm4b:s13+s20], $0x80, v12, vm0, $0xb8;
	[tilespmem:$0x1C900] =	vst v63  }
0xd4: {  	s22 =	simm.s32 $0x13D00  }
0xd5: {  	[tilespmem:s22], [sflag:$0x5] =	stream.indirect_vreg.gather [hbm4b:s14+s20], $0x80, v12, vm0, $0xb8;
	[tilespmem:$0x1C900] =	vst v63  }
0xd6: {  	_ =	swait.ge [sflag:s7], $0x4000  }
0xd7: {  	s23 =	simm.s32 $0x0;
	[sflag:s7] =	ssyncset.done $0x0  }
0xd8: {  	s8 =	sand.u32 $0x2000, s23;
	[sflag:s7] =	ssyncadd.s32 $0xFFFFC000  }
0xd9: {  	s21 =	sand.u32 $0x1C00, s20;
	s22 =	simm.s32 $0x0;
	_ =	swait.ge [sflag:s26], $0x4000  }
0xda: {  	s8 =	sor.u32 s21, s8;
	s24 =	sand.u32 $0x380, s22;
	[sflag:s26] =	ssyncset.done $0x0  }
0xdb: {  	s21 =	sor.u32 s24, s8;
	[sflag:s26] =	ssyncadd.s32 $0xFFFFC000  }
0xdc: {  	v12 =	vld [tilespmem:s21+$0x570]  }
0xdd: {  	v14 =	vld [tilespmem:s21+$0xC570]  }
0xde: {  	v15 =	vld [tilespmem:s21+$0x500]  }
0xdf: {  	v17 =	vld [tilespmem:s21+$0xC500]  }
0xe0: {  	v18 =	vld [tilespmem:s21+$0x510]  }
0xe1: {  	v19 =	vld [tilespmem:s21+$0xC510]  }
0xe2: {  	v13 =	vld [tilespmem:s21+$0x520]  }
0xe3: {  	v16 =	vld [tilespmem:s21+$0xC520];
	v14 =	vadd.f32 v14, v12  }
0xe4: {  	v17 =	vadd.f32 v17, v15;
	v12 =	vld [tilespmem:s21+$0x530]  }
0xe5: {  	v15 =	vld [tilespmem:s21+$0xC530];
	[tilespmem:s21+$0x570] =	vst v14  }
0xe6: {  	s22 =	simm.s32 $0x0;
	[tilespmem:s21+$0x500] =	vst v17;
	v17 =	vadd.f32 v19, v18;
	v14 =	vld [tilespmem:s21+$0x540]  }
.LBB2_8:
0xe7: {  	s22 =	sadd.s32 $0x8, s22;
	v18 =	vld [tilespmem:s21+$0xC540]  }
0xe8: {  	s20 =	sadd.s32 $0x400, s20;
	s8 =	sshll.u32 s22, $0x4;
	p1 =	slt.u32 s22, $0x3F8;
	[tilespmem:s21+$0x510] =	vst v17;
	v13 =	vadd.f32 v16, v13;
	v16 =	vld [tilespmem:s21+$0x550]  }
0xe9: {  	s23 =	sand.u32 $0x1C00, s20;
	s24 =	sshll.u32 s22, $0x1;
	s8 =	sand.u32 $0x2000, s8;
	v17 =	vld [tilespmem:s21+$0xC550]  }
0xea: {  	s8 =	sor.u32 s23, s8;
	s23 =	sand.u32 $0x380, s24;
	[tilespmem:s21+$0x520] =	vst v13;
	v12 =	vadd.f32 v15, v12;
	v13 =	vld [tilespmem:s21+$0x560]  }
0xeb: {  	s8 =	sor.u32 s23, s8;
	v15 =	vld [tilespmem:s21+$0xC560]  }
0xec: {  	v19 =	vld [tilespmem:s8+$0x570];
	[tilespmem:s21+$0x530] =	vst v12;
	v12 =	vadd.f32 v18, v14  }
0xed: {  	v14 =	vld [tilespmem:s8+$0xC570]  }
0xee: {  	v18 =	vld [tilespmem:s8+$0x500];
	[tilespmem:s21+$0x540] =	vst v12;
	v12 =	vadd.f32 v17, v16  }
0xef: {  	v17 =	vld [tilespmem:s8+$0xC500]  }
0xf0: {  	v20 =	vld [tilespmem:s8+$0x510];
	[tilespmem:s21+$0x550] =	vst v12;
	v12 =	vadd.f32 v15, v13  }
0xf1: {  	v21 =	vld [tilespmem:s8+$0xC510]  }
.Ltmp3:
0xf2: {  	v13 =	vld [tilespmem:s8+$0x520];
	v14 =	vadd.f32 v14, v19;
	[tilespmem:s21+$0x560] =	vst v12;
	s21 =	smov.u32 s8;
	(pc) =	sbr.rel @p1 .LBB2_8-.Ltmp3, $4  }
0xf3: {  	v16 =	vld [tilespmem:s21+$0xC520]  }
0xf4: {  	v17 =	vadd.f32 v17, v18;
	v12 =	vld [tilespmem:s21+$0x530];
	[tilespmem:s21+$0x570] =	vst v14  }
0xf5: {  	v15 =	vld [tilespmem:s21+$0xC530]  }
0xf6: {  	[tilespmem:s21+$0x500] =	vst v17;
	v17 =	vadd.f32 v21, v20;
	v14 =	vld [tilespmem:s21+$0x540]  }
0xf7: {  	v18 =	vld [tilespmem:s21+$0xC540]  }
0xf8: {  	v19 =	vld [tilespmem:s21+$0x550]  }
0xf9: {  	v20 =	vld [tilespmem:s21+$0xC550]  }
0xfa: {  	v21 =	vld [tilespmem:s21+$0x560]  }
0xfb: {  	v22 =	vld [tilespmem:s21+$0xC560]  }
0xfc: {  	v13 =	vadd.f32 v16, v13  }
0xfd: {  	[tilespmem:s21+$0x510] =	vst v17;
	v12 =	vadd.f32 v15, v12  }
0xfe: {  	[tilespmem:s21+$0x520] =	vst v13;
	v13 =	vadd.f32 v18, v14  }
0xff: {  	[tilespmem:s21+$0x530] =	vst v12;
	v12 =	vadd.f32 v20, v19  }
0x100: {  	[tilespmem:s21+$0x540] =	vst v13;
	v13 =	vadd.f32 v22, v21  }
0x101: {  	[tilespmem:s21+$0x550] =	vst v12  }
0x102: {  	[tilespmem:s21+$0x560] =	vst v13  }
0x103: {  	v12 =	vld [tilespmem:$0x380];
	_ =	sdelay $0x4  }
0x104: {  	v13 =	vshll.u32 v12, $0x3  }
0x105: {  	v12 =	vand.u32 $0x7, v12;
	v13 =	vand.u32 $0xFFFFFFC0, v13  }
0x106: {  	v12 =	vor.u32 v12, v13  }
0x107: {  	v13 =	vperm.xlane v12, v9;
	_ =	sdelay $0x1  }
0x108: {  	v13 =	vadd.s32 v10, v13;
	_ =	sdelay $0x3  }
0x109: {  	s20 =	simm.s32 $0x0  }
0x10a: {  	[hbm4b:s5+s20] =	stream.indirect_vreg.scatter [tilespmem:s3], [sflag:$0x7], $0x80, v13, vm0, $0xb8;
	[tilespmem:$0x1C900] =	vst v63  }
0x10b: {  	s8 =	simm.s32 $0xD00;
	v12 =	vperm.xlane v12, v11  }
0x10c: {  	[hbm4b:s16+s20] =	stream.indirect_vreg.scatter [tilespmem:s8], [sflag:$0x7], $0x80, v13, vm0, $0xb8;
	[tilespmem:$0x1C900] =	vst v63  }
0x10d: {  	s24 =	simm.s32 $0x1500;
	v12 =	vadd.s32 v10, v12  }
0x10e: {  	[hbm4b:s17+s20] =	stream.indirect_vreg.scatter [tilespmem:s24], [sflag:$0x7], $0x80, v13, vm0, $0xb8;
	[tilespmem:$0x1C900] =	vst v63  }
0x10f: {  	s21 =	simm.s32 $0x1D00  }
0x110: {  	[hbm4b:s18+s20] =	stream.indirect_vreg.scatter [tilespmem:s21], [sflag:$0x7], $0x80, v13, vm0, $0xb8;
	[tilespmem:$0x1C900] =	vst v63  }
0x111: {  	s22 =	simm.s32 $0x2500  }
0x112: {  	[hbm4b:s5+s20] =	stream.indirect_vreg.scatter [tilespmem:s22], [sflag:$0x7], $0x80, v12, vm0, $0xb8;
	[tilespmem:$0x1C900] =	vst v63  }
0x113: {  	s23 =	simm.s32 $0x2D00  }
0x114: {  	[hbm4b:s16+s20] =	stream.indirect_vreg.scatter [tilespmem:s23], [sflag:$0x7], $0x80, v12, vm0, $0xb8;
	[tilespmem:$0x1C900] =	vst v63  }
0x115: {  	s24 =	simm.s32 $0x3500  }
0x116: {  	[hbm4b:s17+s20] =	stream.indirect_vreg.scatter [tilespmem:s24], [sflag:$0x7], $0x80, v12, vm0, $0xb8;
	[tilespmem:$0x1C900] =	vst v63  }
0x117: {  	s21 =	simm.s32 $0x3D00  }
0x118: {  	[hbm4b:s18+s20] =	stream.indirect_vreg.scatter [tilespmem:s21], [sflag:$0x7], $0x80, v12, vm0, $0xb8;
	[tilespmem:$0x1C900] =	vst v63  }
0x119: {  	v12 =	vld [tilespmem:$0x20];
	_ =	sdelay $0x4  }
0x11a: {  	v13 =	vadd.s32 v0, v12  }
0x11b: {  	[tilespmem:$0x180] =	vst v13  }
0x11c: {  	v13 =	vld [tilespmem:$0x180];
	_ =	sdelay $0x4  }
0x11d: {  	v14 =	vshll.u32 v13, $0x3  }
0x11e: {  	v13 =	vand.u32 $0x7, v13;
	v14 =	vand.u32 $0xFFFFFFC0, v14  }
0x11f: {  	v13 =	vor.u32 v13, v14  }
0x120: {  	v14 =	vperm.xlane v13, v9;
	_ =	sdelay $0x1  }
0x121: {  	v14 =	vadd.s32 v10, v14;
	_ =	sdelay $0x2  }
0x122: {  	[tilespmem:$0x480] =	vst v3;
	v12 =	vadd.s32 $0x1, v12  }
0x123: {  	s22 =	simm.s32 $0x8500;
	[tilespmem:$0x300] =	vst v12  }
0x124: {  	[tilespmem:s22], [sflag:$0x3] =	stream.indirect_vreg.gather [hbm4b:s1+s20], $0x80, v14, vm0, $0xb8;
	[tilespmem:$0x1C900] =	vst v63  }
0x125: {  	s23 =	simm.s32 $0x8D00;
	v12 =	vperm.xlane v13, v11  }
0x126: {  	[tilespmem:s23], [sflag:$0x3] =	stream.indirect_vreg.gather [hbm4b:s9+s20], $0x80, v14, vm0, $0xb8;
	[tilespmem:$0x1C900] =	vst v63  }
0x127: {  	s24 =	simm.s32 $0x9500;
	v12 =	vadd.s32 v10, v12  }
0x128: {  	[tilespmem:s24], [sflag:$0x3] =	stream.indirect_vreg.gather [hbm4b:s10+s20], $0x80, v14, vm0, $0xb8;
	[tilespmem:$0x1C900] =	vst v63  }
0x129: {  	s21 =	simm.s32 $0x9D00  }
0x12a: {  	[tilespmem:s21], [sflag:$0x3] =	stream.indirect_vreg.gather [hbm4b:s11+s20], $0x80, v14, vm0, $0xb8;
	[tilespmem:$0x1C900] =	vst v63  }
0x12b: {  	s22 =	simm.s32 $0xA500  }
0x12c: {  	[tilespmem:s22], [sflag:$0x3] =	stream.indirect_vreg.gather [hbm4b:s1+s20], $0x80, v12, vm0, $0xb8;
	[tilespmem:$0x1C900] =	vst v63  }
0x12d: {  	s23 =	simm.s32 $0xAD00  }
0x12e: {  	[tilespmem:s23], [sflag:$0x3] =	stream.indirect_vreg.gather [hbm4b:s9+s20], $0x80, v12, vm0, $0xb8;
	[tilespmem:$0x1C900] =	vst v63  }
0x12f: {  	s24 =	simm.s32 $0xB500  }
0x130: {  	[tilespmem:s24], [sflag:$0x3] =	stream.indirect_vreg.gather [hbm4b:s10+s20], $0x80, v12, vm0, $0xb8;
	[tilespmem:$0x1C900] =	vst v63  }
0x131: {  	s21 =	simm.s32 $0xBD00  }
0x132: {  	[tilespmem:s21], [sflag:$0x3] =	stream.indirect_vreg.gather [hbm4b:s11+s20], $0x80, v12, vm0, $0xb8;
	[tilespmem:$0x1C900] =	vst v63  }
0x133: {  	v12 =	vld [tilespmem:$0x300];
	_ =	sdelay $0x4  }
0x134: {  	v13 =	vshll.u32 v12, $0x3  }
0x135: {  	v12 =	vand.u32 $0x7, v12;
	v13 =	vand.u32 $0xFFFFFFC0, v13  }
0x136: {  	v12 =	vor.u32 v12, v13  }
0x137: {  	v13 =	vperm.xlane v12, v9;
	_ =	sdelay $0x1  }
0x138: {  	v13 =	vadd.s32 v10, v13;
	_ =	sdelay $0x3  }
0x139: {  	s22 =	simm.s32 $0x14500  }
0x13a: {  	[tilespmem:s22], [sflag:$0x6] =	stream.indirect_vreg.gather [hbm4b:s2+s20], $0x80, v13, vm0, $0xb8;
	[tilespmem:$0x1C900] =	vst v63  }
0x13b: {  	s23 =	simm.s32 $0x14D00;
	v12 =	vperm.xlane v12, v11  }
0x13c: {  	[tilespmem:s23], [sflag:$0x6] =	stream.indirect_vreg.gather [hbm4b:s12+s20], $0x80, v13, vm0, $0xb8;
	[tilespmem:$0x1C900] =	vst v63  }
0x13d: {  	s24 =	simm.s32 $0x15500;
	v12 =	vadd.s32 v10, v12  }
0x13e: {  	[tilespmem:s24], [sflag:$0x6] =	stream.indirect_vreg.gather [hbm4b:s13+s20], $0x80, v13, vm0, $0xb8;
	[tilespmem:$0x1C900] =	vst v63  }
0x13f: {  	s21 =	simm.s32 $0x15D00  }
0x140: {  	[tilespmem:s21], [sflag:$0x6] =	stream.indirect_vreg.gather [hbm4b:s14+s20], $0x80, v13, vm0, $0xb8;
	[tilespmem:$0x1C900] =	vst v63  }
0x141: {  	s22 =	simm.s32 $0x16500  }
0x142: {  	[tilespmem:s22], [sflag:$0x6] =	stream.indirect_vreg.gather [hbm4b:s2+s20], $0x80, v12, vm0, $0xb8;
	[tilespmem:$0x1C900] =	vst v63  }
0x143: {  	s23 =	simm.s32 $0x16D00  }
0x144: {  	[tilespmem:s23], [sflag:$0x6] =	stream.indirect_vreg.gather [hbm4b:s12+s20], $0x80, v12, vm0, $0xb8;
	[tilespmem:$0x1C900] =	vst v63  }
0x145: {  	s24 =	simm.s32 $0x17500  }
0x146: {  	[tilespmem:s24], [sflag:$0x6] =	stream.indirect_vreg.gather [hbm4b:s13+s20], $0x80, v12, vm0, $0xb8;
	[tilespmem:$0x1C900] =	vst v63  }
0x147: {  	s21 =	simm.s32 $0x17D00  }
0x148: {  	[tilespmem:s21], [sflag:$0x6] =	stream.indirect_vreg.gather [hbm4b:s14+s20], $0x80, v12, vm0, $0xb8;
	[tilespmem:$0x1C900] =	vst v63  }
0x149: {  	_ =	swait.ge [sflag:s28], $0x4000  }
0x14a: {  	s22 =	simm.s32 $0x0;
	[sflag:s28] =	ssyncset.done $0x0  }
0x14b: {  	s8 =	sand.u32 $0x2000, s22;
	[sflag:s28] =	ssyncadd.s32 $0xFFFFC000  }
0x14c: {  	s22 =	simm.s32 $0x0;
	s23 =	sand.u32 $0x1C00, s20;
	_ =	swait.ge [sflag:s29], $0x4000  }
0x14d: {  	s8 =	sor.u32 s23, s8;
	s24 =	sand.u32 $0x380, s22;
	[sflag:s29] =	ssyncset.done $0x0  }
0x14e: {  	s21 =	sor.u32 s24, s8;
	[sflag:s29] =	ssyncadd.s32 $0xFFFFC000  }
0x14f: {  	v12 =	vld [tilespmem:s21+$0x4570]  }
0x150: {  	v14 =	vld [tilespmem:s21+$0x10570]  }
0x151: {  	v15 =	vld [tilespmem:s21+$0x4500]  }
0x152: {  	v17 =	vld [tilespmem:s21+$0x10500]  }
0x153: {  	v18 =	vld [tilespmem:s21+$0x4510]  }
0x154: {  	v19 =	vld [tilespmem:s21+$0x10510]  }
0x155: {  	v13 =	vld [tilespmem:s21+$0x4520]  }
0x156: {  	v16 =	vld [tilespmem:s21+$0x10520];
	v14 =	vadd.f32 v14, v12  }
0x157: {  	v17 =	vadd.f32 v17, v15;
	v12 =	vld [tilespmem:s21+$0x4530]  }
0x158: {  	v15 =	vld [tilespmem:s21+$0x10530];
	[tilespmem:s21+$0x4570] =	vst v14  }
0x159: {  	s22 =	simm.s32 $0x0;
	[tilespmem:s21+$0x4500] =	vst v17;
	v17 =	vadd.f32 v19, v18;
	v14 =	vld [tilespmem:s21+$0x4540]  }
.LBB2_10:
0x15a: {  	s22 =	sadd.s32 $0x8, s22;
	v18 =	vld [tilespmem:s21+$0x10540]  }
0x15b: {  	s20 =	sadd.s32 $0x400, s20;
	s8 =	sshll.u32 s22, $0x4;
	p1 =	slt.u32 s22, $0x3F8;
	[tilespmem:s21+$0x4510] =	vst v17;
	v13 =	vadd.f32 v16, v13;
	v16 =	vld [tilespmem:s21+$0x4550]  }
0x15c: {  	s23 =	sand.u32 $0x1C00, s20;
	s24 =	sshll.u32 s22, $0x1;
	s8 =	sand.u32 $0x2000, s8;
	v17 =	vld [tilespmem:s21+$0x10550]  }
0x15d: {  	s8 =	sor.u32 s23, s8;
	s23 =	sand.u32 $0x380, s24;
	[tilespmem:s21+$0x4520] =	vst v13;
	v12 =	vadd.f32 v15, v12;
	v13 =	vld [tilespmem:s21+$0x4560]  }
0x15e: {  	s8 =	sor.u32 s23, s8;
	v15 =	vld [tilespmem:s21+$0x10560]  }
0x15f: {  	v19 =	vld [tilespmem:s8+$0x4570];
	[tilespmem:s21+$0x4530] =	vst v12;
	v12 =	vadd.f32 v18, v14  }
0x160: {  	v14 =	vld [tilespmem:s8+$0x10570]  }
0x161: {  	v18 =	vld [tilespmem:s8+$0x4500];
	[tilespmem:s21+$0x4540] =	vst v12;
	v12 =	vadd.f32 v17, v16  }
0x162: {  	v17 =	vld [tilespmem:s8+$0x10500]  }
0x163: {  	v20 =	vld [tilespmem:s8+$0x4510];
	[tilespmem:s21+$0x4550] =	vst v12;
	v12 =	vadd.f32 v15, v13  }
0x164: {  	v21 =	vld [tilespmem:s8+$0x10510]  }
.Ltmp4:
0x165: {  	v13 =	vld [tilespmem:s8+$0x4520];
	v14 =	vadd.f32 v14, v19;
	[tilespmem:s21+$0x4560] =	vst v12;
	s21 =	smov.u32 s8;
	(pc) =	sbr.rel @p1 .LBB2_10-.Ltmp4, $4  }
0x166: {  	v16 =	vld [tilespmem:s21+$0x10520]  }
0x167: {  	v17 =	vadd.f32 v17, v18;
	v12 =	vld [tilespmem:s21+$0x4530];
	[tilespmem:s21+$0x4570] =	vst v14  }
0x168: {  	v15 =	vld [tilespmem:s21+$0x10530]  }
0x169: {  	[tilespmem:s21+$0x4500] =	vst v17;
	v17 =	vadd.f32 v21, v20;
	v14 =	vld [tilespmem:s21+$0x4540]  }
0x16a: {  	v18 =	vld [tilespmem:s21+$0x10540]  }
0x16b: {  	v19 =	vld [tilespmem:s21+$0x4550]  }
0x16c: {  	v20 =	vld [tilespmem:s21+$0x10550]  }
0x16d: {  	v21 =	vld [tilespmem:s21+$0x4560]  }
0x16e: {  	v22 =	vld [tilespmem:s21+$0x10560]  }
0x16f: {  	v13 =	vadd.f32 v16, v13  }
0x170: {  	[tilespmem:s21+$0x4510] =	vst v17;
	v12 =	vadd.f32 v15, v12  }
0x171: {  	[tilespmem:s21+$0x4520] =	vst v13;
	v13 =	vadd.f32 v18, v14  }
0x172: {  	[tilespmem:s21+$0x4530] =	vst v12;
	v12 =	vadd.f32 v20, v19  }
0x173: {  	[tilespmem:s21+$0x4540] =	vst v13;
	v13 =	vadd.f32 v22, v21  }
0x174: {  	[tilespmem:s21+$0x4550] =	vst v12  }
0x175: {  	[tilespmem:s21+$0x4560] =	vst v13  }
0x176: {  	v12 =	vld [tilespmem:$0x400];
	_ =	sdelay $0x4  }
0x177: {  	v13 =	vshll.u32 v12, $0x3  }
0x178: {  	v12 =	vand.u32 $0x7, v12;
	v13 =	vand.u32 $0xFFFFFFC0, v13  }
0x179: {  	v12 =	vor.u32 v12, v13  }
0x17a: {  	v13 =	vperm.xlane v12, v9;
	_ =	sdelay $0x1  }
0x17b: {  	v13 =	vadd.s32 v10, v13;
	_ =	sdelay $0x3  }
0x17c: {  	s20 =	simm.s32 $0x0;
	s8 =	simm.s32 $0x4500  }
0x17d: {  	[hbm4b:s5+s20] =	stream.indirect_vreg.scatter [tilespmem:s8], [sflag:$0x8], $0x80, v13, vm0, $0xb8;
	[tilespmem:$0x1C900] =	vst v63  }
0x17e: {  	s23 =	simm.s32 $0x4D00;
	v12 =	vperm.xlane v12, v11  }
0x17f: {  	[hbm4b:s16+s20] =	stream.indirect_vreg.scatter [tilespmem:s23], [sflag:$0x8], $0x80, v13, vm0, $0xb8;
	[tilespmem:$0x1C900] =	vst v63  }
0x180: {  	s24 =	simm.s32 $0x5500;
	v12 =	vadd.s32 v10, v12  }
0x181: {  	[hbm4b:s17+s20] =	stream.indirect_vreg.scatter [tilespmem:s24], [sflag:$0x8], $0x80, v13, vm0, $0xb8;
	[tilespmem:$0x1C900] =	vst v63  }
0x182: {  	s21 =	simm.s32 $0x5D00  }
0x183: {  	[hbm4b:s18+s20] =	stream.indirect_vreg.scatter [tilespmem:s21], [sflag:$0x8], $0x80, v13, vm0, $0xb8;
	[tilespmem:$0x1C900] =	vst v63  }
0x184: {  	s22 =	simm.s32 $0x6500  }
0x185: {  	[hbm4b:s5+s20] =	stream.indirect_vreg.scatter [tilespmem:s22], [sflag:$0x8], $0x80, v12, vm0, $0xb8;
	[tilespmem:$0x1C900] =	vst v63  }
0x186: {  	s23 =	simm.s32 $0x6D00  }
0x187: {  	[hbm4b:s16+s20] =	stream.indirect_vreg.scatter [tilespmem:s23], [sflag:$0x8], $0x80, v12, vm0, $0xb8;
	[tilespmem:$0x1C900] =	vst v63  }
0x188: {  	s24 =	simm.s32 $0x7500  }
0x189: {  	[hbm4b:s17+s20] =	stream.indirect_vreg.scatter [tilespmem:s24], [sflag:$0x8], $0x80, v12, vm0, $0xb8;
	[tilespmem:$0x1C900] =	vst v63  }
0x18a: {  	s21 =	simm.s32 $0x7D00  }
0x18b: {  	[hbm4b:s18+s20] =	stream.indirect_vreg.scatter [tilespmem:s21], [sflag:$0x8], $0x80, v12, vm0, $0xb8;
	[tilespmem:$0x1C900] =	vst v63  }
0x18c: {  	_ =	swait.ge [sflag:s30], $0x4000  }
0x18d: {  	[sflag:s30] =	ssyncset.done $0x0  }
0x18e: {  	[sflag:s30] =	ssyncadd.s32 $0xFFFFC000  }
0x18f: {  	v12 =	vld [tilespmem:$0x30];
	_ =	sdelay $0x4  }
0x190: {  	v13 =	vadd.s32 v0, v12  }
0x191: {  	[tilespmem:$0x80] =	vst v13  }
0x192: {  	v13 =	vld [tilespmem:$0x80];
	_ =	sdelay $0x4  }
0x193: {  	v14 =	vshll.u32 v13, $0x3  }
0x194: {  	v13 =	vand.u32 $0x7, v13;
	v14 =	vand.u32 $0xFFFFFFC0, v14  }
0x195: {  	v13 =	vor.u32 v13, v14  }
0x196: {  	v14 =	vperm.xlane v13, v9;
	_ =	sdelay $0x1  }
0x197: {  	v14 =	vadd.s32 v10, v14;
	_ =	sdelay $0x2  }
0x198: {  	[tilespmem:$0x380] =	vst v4;
	v12 =	vadd.s32 $0x1, v12  }
0x199: {  	[tilespmem:$0x200] =	vst v12  }
0x19a: {  	[tilespmem:s3], [sflag:$0x1] =	stream.indirect_vreg.gather [hbm4b:s1+s20], $0x80, v14, vm0, $0xb8;
	[tilespmem:$0x1C900] =	vst v63  }
0x19b: {  	s22 =	simm.s32 $0xD00;
	v12 =	vperm.xlane v13, v11  }
0x19c: {  	[tilespmem:s22], [sflag:$0x1] =	stream.indirect_vreg.gather [hbm4b:s9+s20], $0x80, v14, vm0, $0xb8;
	[tilespmem:$0x1C900] =	vst v63  }
0x19d: {  	s23 =	simm.s32 $0x1500;
	v12 =	vadd.s32 v10, v12  }
0x19e: {  	[tilespmem:s23], [sflag:$0x1] =	stream.indirect_vreg.gather [hbm4b:s10+s20], $0x80, v14, vm0, $0xb8;
	[tilespmem:$0x1C900] =	vst v63  }
0x19f: {  	s24 =	simm.s32 $0x1D00  }
0x1a0: {  	[tilespmem:s24], [sflag:$0x1] =	stream.indirect_vreg.gather [hbm4b:s11+s20], $0x80, v14, vm0, $0xb8;
	[tilespmem:$0x1C900] =	vst v63  }
0x1a1: {  	s21 =	simm.s32 $0x2500  }
0x1a2: {  	[tilespmem:s21], [sflag:$0x1] =	stream.indirect_vreg.gather [hbm4b:s1+s20], $0x80, v12, vm0, $0xb8;
	[tilespmem:$0x1C900] =	vst v63  }
0x1a3: {  	s22 =	simm.s32 $0x2D00  }
0x1a4: {  	[tilespmem:s22], [sflag:$0x1] =	stream.indirect_vreg.gather [hbm4b:s9+s20], $0x80, v12, vm0, $0xb8;
	[tilespmem:$0x1C900] =	vst v63  }
0x1a5: {  	s23 =	simm.s32 $0x3500  }
0x1a6: {  	[tilespmem:s23], [sflag:$0x1] =	stream.indirect_vreg.gather [hbm4b:s10+s20], $0x80, v12, vm0, $0xb8;
	[tilespmem:$0x1C900] =	vst v63  }
0x1a7: {  	s24 =	simm.s32 $0x3D00  }
0x1a8: {  	[tilespmem:s24], [sflag:$0x1] =	stream.indirect_vreg.gather [hbm4b:s11+s20], $0x80, v12, vm0, $0xb8;
	[tilespmem:$0x1C900] =	vst v63  }
0x1a9: {  	v12 =	vld [tilespmem:$0x200];
	_ =	sdelay $0x4  }
0x1aa: {  	v13 =	vshll.u32 v12, $0x3  }
0x1ab: {  	v12 =	vand.u32 $0x7, v12;
	v13 =	vand.u32 $0xFFFFFFC0, v13  }
0x1ac: {  	v12 =	vor.u32 v12, v13  }
0x1ad: {  	v13 =	vperm.xlane v12, v9;
	_ =	sdelay $0x1  }
0x1ae: {  	v13 =	vadd.s32 v10, v13;
	_ =	sdelay $0x3  }
0x1af: {  	s21 =	simm.s32 $0xC500  }
0x1b0: {  	[tilespmem:s21], [sflag:$0x4] =	stream.indirect_vreg.gather [hbm4b:s2+s20], $0x80, v13, vm0, $0xb8;
	[tilespmem:$0x1C900] =	vst v63  }
0x1b1: {  	s22 =	simm.s32 $0xCD00;
	v12 =	vperm.xlane v12, v11  }
0x1b2: {  	[tilespmem:s22], [sflag:$0x4] =	stream.indirect_vreg.gather [hbm4b:s12+s20], $0x80, v13, vm0, $0xb8;
	[tilespmem:$0x1C900] =	vst v63  }
0x1b3: {  	s23 =	simm.s32 $0xD500;
	v12 =	vadd.s32 v10, v12  }
0x1b4: {  	[tilespmem:s23], [sflag:$0x4] =	stream.indirect_vreg.gather [hbm4b:s13+s20], $0x80, v13, vm0, $0xb8;
	[tilespmem:$0x1C900] =	vst v63  }
0x1b5: {  	s24 =	simm.s32 $0xDD00  }
0x1b6: {  	[tilespmem:s24], [sflag:$0x4] =	stream.indirect_vreg.gather [hbm4b:s14+s20], $0x80, v13, vm0, $0xb8;
	[tilespmem:$0x1C900] =	vst v63  }
0x1b7: {  	s21 =	simm.s32 $0xE500  }
0x1b8: {  	[tilespmem:s21], [sflag:$0x4] =	stream.indirect_vreg.gather [hbm4b:s2+s20], $0x80, v12, vm0, $0xb8;
	[tilespmem:$0x1C900] =	vst v63  }
0x1b9: {  	s22 =	simm.s32 $0xED00  }
0x1ba: {  	[tilespmem:s22], [sflag:$0x4] =	stream.indirect_vreg.gather [hbm4b:s12+s20], $0x80, v12, vm0, $0xb8;
	[tilespmem:$0x1C900] =	vst v63  }
0x1bb: {  	s23 =	simm.s32 $0xF500  }
0x1bc: {  	[tilespmem:s23], [sflag:$0x4] =	stream.indirect_vreg.gather [hbm4b:s13+s20], $0x80, v12, vm0, $0xb8;
	[tilespmem:$0x1C900] =	vst v63  }
0x1bd: {  	s24 =	simm.s32 $0xFD00;
	s21 =	simm.s32 $0x3  }
0x1be: {  	[tilespmem:s24], [sflag:$0x4] =	stream.indirect_vreg.gather [hbm4b:s14+s20], $0x80, v12, vm0, $0xb8;
	[tilespmem:$0x1C900] =	vst v63  }
0x1bf: {  	_ =	swait.ge [sflag:s21], $0x4000  }
0x1c0: {  	s22 =	simm.s32 $0x0;
	[sflag:s21] =	ssyncset.done $0x0  }
0x1c1: {  	s8 =	sand.u32 $0x2000, s22;
	[sflag:s21] =	ssyncadd.s32 $0xFFFFC000  }
0x1c2: {  	s22 =	simm.s32 $0x0;
	s23 =	sand.u32 $0x1C00, s20;
	_ =	swait.ge [sflag:s0], $0x4000  }
0x1c3: {  	s8 =	sor.u32 s23, s8;
	s24 =	sand.u32 $0x380, s22;
	[sflag:s0] =	ssyncset.done $0x0  }
0x1c4: {  	s21 =	sor.u32 s24, s8;
	[sflag:s0] =	ssyncadd.s32 $0xFFFFC000  }
0x1c5: {  	v12 =	vld [tilespmem:s21+$0x8570]  }
0x1c6: {  	v14 =	vld [tilespmem:s21+$0x14570]  }
0x1c7: {  	v15 =	vld [tilespmem:s21+$0x8500]  }
0x1c8: {  	v17 =	vld [tilespmem:s21+$0x14500]  }
0x1c9: {  	v18 =	vld [tilespmem:s21+$0x8510]  }
0x1ca: {  	v19 =	vld [tilespmem:s21+$0x14510]  }
0x1cb: {  	v13 =	vld [tilespmem:s21+$0x8520]  }
0x1cc: {  	v16 =	vld [tilespmem:s21+$0x14520];
	v14 =	vadd.f32 v14, v12  }
0x1cd: {  	v17 =	vadd.f32 v17, v15;
	v12 =	vld [tilespmem:s21+$0x8530]  }
0x1ce: {  	v15 =	vld [tilespmem:s21+$0x14530];
	[tilespmem:s21+$0x8570] =	vst v14  }
0x1cf: {  	s22 =	simm.s32 $0x0;
	[tilespmem:s21+$0x8500] =	vst v17;
	v17 =	vadd.f32 v19, v18;
	v14 =	vld [tilespmem:s21+$0x8540]  }
.LBB2_12:
0x1d0: {  	s22 =	sadd.s32 $0x8, s22;
	v18 =	vld [tilespmem:s21+$0x14540]  }
0x1d1: {  	s20 =	sadd.s32 $0x400, s20;
	s8 =	sshll.u32 s22, $0x4;
	p1 =	slt.u32 s22, $0x3F8;
	[tilespmem:s21+$0x8510] =	vst v17;
	v13 =	vadd.f32 v16, v13;
	v16 =	vld [tilespmem:s21+$0x8550]  }
0x1d2: {  	s23 =	sand.u32 $0x1C00, s20;
	s24 =	sshll.u32 s22, $0x1;
	s8 =	sand.u32 $0x2000, s8;
	v17 =	vld [tilespmem:s21+$0x14550]  }
0x1d3: {  	s8 =	sor.u32 s23, s8;
	s23 =	sand.u32 $0x380, s24;
	[tilespmem:s21+$0x8520] =	vst v13;
	v12 =	vadd.f32 v15, v12;
	v13 =	vld [tilespmem:s21+$0x8560]  }
0x1d4: {  	s8 =	sor.u32 s23, s8;
	v15 =	vld [tilespmem:s21+$0x14560]  }
0x1d5: {  	v19 =	vld [tilespmem:s8+$0x8570];
	[tilespmem:s21+$0x8530] =	vst v12;
	v12 =	vadd.f32 v18, v14  }
0x1d6: {  	v14 =	vld [tilespmem:s8+$0x14570]  }
0x1d7: {  	v18 =	vld [tilespmem:s8+$0x8500];
	[tilespmem:s21+$0x8540] =	vst v12;
	v12 =	vadd.f32 v17, v16  }
0x1d8: {  	v17 =	vld [tilespmem:s8+$0x14500]  }
0x1d9: {  	v20 =	vld [tilespmem:s8+$0x8510];
	[tilespmem:s21+$0x8550] =	vst v12;
	v12 =	vadd.f32 v15, v13  }
0x1da: {  	v21 =	vld [tilespmem:s8+$0x14510]  }
.Ltmp5:
0x1db: {  	v13 =	vld [tilespmem:s8+$0x8520];
	v14 =	vadd.f32 v14, v19;
	[tilespmem:s21+$0x8560] =	vst v12;
	s21 =	smov.u32 s8;
	(pc) =	sbr.rel @p1 .LBB2_12-.Ltmp5, $4  }
0x1dc: {  	v16 =	vld [tilespmem:s21+$0x14520]  }
0x1dd: {  	v17 =	vadd.f32 v17, v18;
	v12 =	vld [tilespmem:s21+$0x8530];
	[tilespmem:s21+$0x8570] =	vst v14  }
0x1de: {  	v15 =	vld [tilespmem:s21+$0x14530]  }
0x1df: {  	[tilespmem:s21+$0x8500] =	vst v17;
	v17 =	vadd.f32 v21, v20;
	v14 =	vld [tilespmem:s21+$0x8540]  }
0x1e0: {  	v18 =	vld [tilespmem:s21+$0x14540]  }
0x1e1: {  	v19 =	vld [tilespmem:s21+$0x8550]  }
0x1e2: {  	v20 =	vld [tilespmem:s21+$0x14550]  }
0x1e3: {  	v21 =	vld [tilespmem:s21+$0x8560]  }
0x1e4: {  	v22 =	vld [tilespmem:s21+$0x14560]  }
0x1e5: {  	v13 =	vadd.f32 v16, v13  }
0x1e6: {  	[tilespmem:s21+$0x8510] =	vst v17;
	v12 =	vadd.f32 v15, v12  }
0x1e7: {  	[tilespmem:s21+$0x8520] =	vst v13;
	v13 =	vadd.f32 v18, v14  }
0x1e8: {  	[tilespmem:s21+$0x8530] =	vst v12;
	v12 =	vadd.f32 v20, v19  }
0x1e9: {  	[tilespmem:s21+$0x8540] =	vst v13;
	v13 =	vadd.f32 v22, v21  }
0x1ea: {  	[tilespmem:s21+$0x8550] =	vst v12  }
0x1eb: {  	[tilespmem:s21+$0x8560] =	vst v13  }
0x1ec: {  	v12 =	vld [tilespmem:$0x480];
	_ =	sdelay $0x4  }
0x1ed: {  	v13 =	vshll.u32 v12, $0x3  }
0x1ee: {  	v12 =	vand.u32 $0x7, v12;
	v13 =	vand.u32 $0xFFFFFFC0, v13  }
0x1ef: {  	v12 =	vor.u32 v12, v13  }
0x1f0: {  	v13 =	vperm.xlane v12, v9;
	_ =	sdelay $0x1  }
0x1f1: {  	v13 =	vadd.s32 v10, v13;
	_ =	sdelay $0x3  }
0x1f2: {  	s20 =	simm.s32 $0x0;
	s8 =	simm.s32 $0x8500  }
0x1f3: {  	[hbm4b:s5+s20] =	stream.indirect_vreg.scatter [tilespmem:s8], [sflag:$0x9], $0x80, v13, vm0, $0xb8;
	[tilespmem:$0x1C900] =	vst v63  }
0x1f4: {  	s23 =	simm.s32 $0x8D00;
	v12 =	vperm.xlane v12, v11  }
0x1f5: {  	[hbm4b:s16+s20] =	stream.indirect_vreg.scatter [tilespmem:s23], [sflag:$0x9], $0x80, v13, vm0, $0xb8;
	[tilespmem:$0x1C900] =	vst v63  }
0x1f6: {  	s24 =	simm.s32 $0x9500;
	v12 =	vadd.s32 v10, v12  }
0x1f7: {  	[hbm4b:s17+s20] =	stream.indirect_vreg.scatter [tilespmem:s24], [sflag:$0x9], $0x80, v13, vm0, $0xb8;
	[tilespmem:$0x1C900] =	vst v63  }
0x1f8: {  	s21 =	simm.s32 $0x9D00  }
0x1f9: {  	[hbm4b:s18+s20] =	stream.indirect_vreg.scatter [tilespmem:s21], [sflag:$0x9], $0x80, v13, vm0, $0xb8;
	[tilespmem:$0x1C900] =	vst v63  }
0x1fa: {  	s22 =	simm.s32 $0xA500  }
0x1fb: {  	[hbm4b:s5+s20] =	stream.indirect_vreg.scatter [tilespmem:s22], [sflag:$0x9], $0x80, v12, vm0, $0xb8;
	[tilespmem:$0x1C900] =	vst v63  }
0x1fc: {  	s23 =	simm.s32 $0xAD00  }
0x1fd: {  	[hbm4b:s16+s20] =	stream.indirect_vreg.scatter [tilespmem:s23], [sflag:$0x9], $0x80, v12, vm0, $0xb8;
	[tilespmem:$0x1C900] =	vst v63  }
0x1fe: {  	s24 =	simm.s32 $0xB500  }
0x1ff: {  	[hbm4b:s17+s20] =	stream.indirect_vreg.scatter [tilespmem:s24], [sflag:$0x9], $0x80, v12, vm0, $0xb8;
	[tilespmem:$0x1C900] =	vst v63  }
0x200: {  	s21 =	simm.s32 $0xBD00  }
0x201: {  	[hbm4b:s18+s20] =	stream.indirect_vreg.scatter [tilespmem:s21], [sflag:$0x9], $0x80, v12, vm0, $0xb8;
	[tilespmem:$0x1C900] =	vst v63  }
0x202: {  	_ =	swait.ge [sflag:s4], $0x4000  }
0x203: {  	[sflag:s4] =	ssyncset.done $0x0  }
0x204: {  	[sflag:s4] =	ssyncadd.s32 $0xFFFFC000  }
0x205: {  	v12 =	vld [tilespmem:$0x40];
	_ =	sdelay $0x4  }
0x206: {  	v13 =	vadd.s32 v0, v12  }
0x207: {  	[tilespmem:$0x100] =	vst v13  }
0x208: {  	v13 =	vld [tilespmem:$0x100];
	_ =	sdelay $0x4  }
0x209: {  	v14 =	vshll.u32 v13, $0x3  }
0x20a: {  	v13 =	vand.u32 $0x7, v13;
	v14 =	vand.u32 $0xFFFFFFC0, v14  }
0x20b: {  	v13 =	vor.u32 v13, v14  }
0x20c: {  	v14 =	vperm.xlane v13, v9;
	_ =	sdelay $0x1  }
0x20d: {  	v14 =	vadd.s32 v10, v14;
	_ =	sdelay $0x2  }
0x20e: {  	[tilespmem:$0x400] =	vst v5;
	v12 =	vadd.s32 $0x1, v12  }
0x20f: {  	s22 =	simm.s32 $0x4500;
	[tilespmem:$0x280] =	vst v12  }
0x210: {  	[tilespmem:s22], [sflag:$0x2] =	stream.indirect_vreg.gather [hbm4b:s1+s20], $0x80, v14, vm0, $0xb8;
	[tilespmem:$0x1C900] =	vst v63  }
0x211: {  	s23 =	simm.s32 $0x4D00;
	v12 =	vperm.xlane v13, v11  }
0x212: {  	[tilespmem:s23], [sflag:$0x2] =	stream.indirect_vreg.gather [hbm4b:s9+s20], $0x80, v14, vm0, $0xb8;
	[tilespmem:$0x1C900] =	vst v63  }
0x213: {  	s24 =	simm.s32 $0x5500;
	v12 =	vadd.s32 v10, v12  }
0x214: {  	[tilespmem:s24], [sflag:$0x2] =	stream.indirect_vreg.gather [hbm4b:s10+s20], $0x80, v14, vm0, $0xb8;
	[tilespmem:$0x1C900] =	vst v63  }
0x215: {  	s21 =	simm.s32 $0x5D00  }
0x216: {  	[tilespmem:s21], [sflag:$0x2] =	stream.indirect_vreg.gather [hbm4b:s11+s20], $0x80, v14, vm0, $0xb8;
	[tilespmem:$0x1C900] =	vst v63  }
0x217: {  	s22 =	simm.s32 $0x6500  }
0x218: {  	[tilespmem:s22], [sflag:$0x2] =	stream.indirect_vreg.gather [hbm4b:s1+s20], $0x80, v12, vm0, $0xb8;
	[tilespmem:$0x1C900] =	vst v63  }
0x219: {  	s23 =	simm.s32 $0x6D00  }
0x21a: {  	[tilespmem:s23], [sflag:$0x2] =	stream.indirect_vreg.gather [hbm4b:s9+s20], $0x80, v12, vm0, $0xb8;
	[tilespmem:$0x1C900] =	vst v63  }
0x21b: {  	s24 =	simm.s32 $0x7500  }
0x21c: {  	[tilespmem:s24], [sflag:$0x2] =	stream.indirect_vreg.gather [hbm4b:s10+s20], $0x80, v12, vm0, $0xb8;
	[tilespmem:$0x1C900] =	vst v63  }
0x21d: {  	s21 =	simm.s32 $0x7D00  }
0x21e: {  	[tilespmem:s21], [sflag:$0x2] =	stream.indirect_vreg.gather [hbm4b:s11+s20], $0x80, v12, vm0, $0xb8;
	[tilespmem:$0x1C900] =	vst v63  }
0x21f: {  	v12 =	vld [tilespmem:$0x280];
	_ =	sdelay $0x4  }
0x220: {  	v13 =	vshll.u32 v12, $0x3  }
0x221: {  	v12 =	vand.u32 $0x7, v12;
	v13 =	vand.u32 $0xFFFFFFC0, v13  }
0x222: {  	v12 =	vor.u32 v12, v13  }
0x223: {  	v13 =	vperm.xlane v12, v9;
	_ =	sdelay $0x1  }
0x224: {  	v13 =	vadd.s32 v10, v13;
	_ =	sdelay $0x3  }
0x225: {  	s22 =	simm.s32 $0x10500  }
0x226: {  	[tilespmem:s22], [sflag:$0x5] =	stream.indirect_vreg.gather [hbm4b:s2+s20], $0x80, v13, vm0, $0xb8;
	[tilespmem:$0x1C900] =	vst v63  }
0x227: {  	s23 =	simm.s32 $0x10D00;
	v12 =	vperm.xlane v12, v11  }
0x228: {  	[tilespmem:s23], [sflag:$0x5] =	stream.indirect_vreg.gather [hbm4b:s12+s20], $0x80, v13, vm0, $0xb8;
	[tilespmem:$0x1C900] =	vst v63  }
0x229: {  	s24 =	simm.s32 $0x11500;
	v12 =	vadd.s32 v10, v12  }
0x22a: {  	[tilespmem:s24], [sflag:$0x5] =	stream.indirect_vreg.gather [hbm4b:s13+s20], $0x80, v13, vm0, $0xb8;
	[tilespmem:$0x1C900] =	vst v63  }
0x22b: {  	s21 =	simm.s32 $0x11D00  }
0x22c: {  	[tilespmem:s21], [sflag:$0x5] =	stream.indirect_vreg.gather [hbm4b:s14+s20], $0x80, v13, vm0, $0xb8;
	[tilespmem:$0x1C900] =	vst v63  }
0x22d: {  	s22 =	simm.s32 $0x12500  }
0x22e: {  	[tilespmem:s22], [sflag:$0x5] =	stream.indirect_vreg.gather [hbm4b:s2+s20], $0x80, v12, vm0, $0xb8;
	[tilespmem:$0x1C900] =	vst v63  }
0x22f: {  	s23 =	simm.s32 $0x12D00  }
0x230: {  	[tilespmem:s23], [sflag:$0x5] =	stream.indirect_vreg.gather [hbm4b:s12+s20], $0x80, v12, vm0, $0xb8;
	[tilespmem:$0x1C900] =	vst v63  }
0x231: {  	s24 =	simm.s32 $0x13500  }
0x232: {  	[tilespmem:s24], [sflag:$0x5] =	stream.indirect_vreg.gather [hbm4b:s13+s20], $0x80, v12, vm0, $0xb8;
	[tilespmem:$0x1C900] =	vst v63  }
0x233: {  	s21 =	simm.s32 $0x13D00  }
0x234: {  	[tilespmem:s21], [sflag:$0x5] =	stream.indirect_vreg.gather [hbm4b:s14+s20], $0x80, v12, vm0, $0xb8;
	[tilespmem:$0x1C900] =	vst v63  }
0x235: {  	_ =	swait.ge [sflag:s7], $0x4000  }
0x236: {  	s22 =	simm.s32 $0x0;
	[sflag:s7] =	ssyncset.done $0x0  }
0x237: {  	s8 =	sand.u32 $0x2000, s22;
	[sflag:s7] =	ssyncadd.s32 $0xFFFFC000  }
0x238: {  	s22 =	simm.s32 $0x0;
	s23 =	sand.u32 $0x1C00, s20;
	_ =	swait.ge [sflag:s26], $0x4000  }
0x239: {  	s8 =	sor.u32 s23, s8;
	s24 =	sand.u32 $0x380, s22;
	[sflag:s26] =	ssyncset.done $0x0  }
0x23a: {  	s21 =	sor.u32 s24, s8;
	[sflag:s26] =	ssyncadd.s32 $0xFFFFC000  }
0x23b: {  	v12 =	vld [tilespmem:s21+$0x570]  }
0x23c: {  	v14 =	vld [tilespmem:s21+$0xC570]  }
0x23d: {  	v15 =	vld [tilespmem:s21+$0x500]  }
0x23e: {  	v17 =	vld [tilespmem:s21+$0xC500]  }
0x23f: {  	v18 =	vld [tilespmem:s21+$0x510]  }
0x240: {  	v19 =	vld [tilespmem:s21+$0xC510]  }
0x241: {  	v13 =	vld [tilespmem:s21+$0x520]  }
0x242: {  	v16 =	vld [tilespmem:s21+$0xC520];
	v14 =	vadd.f32 v14, v12  }
0x243: {  	v17 =	vadd.f32 v17, v15;
	v12 =	vld [tilespmem:s21+$0x530]  }
0x244: {  	v15 =	vld [tilespmem:s21+$0xC530];
	[tilespmem:s21+$0x570] =	vst v14  }
0x245: {  	s22 =	simm.s32 $0x0;
	[tilespmem:s21+$0x500] =	vst v17;
	v17 =	vadd.f32 v19, v18;
	v14 =	vld [tilespmem:s21+$0x540]  }
.LBB2_14:
0x246: {  	s22 =	sadd.s32 $0x8, s22;
	v18 =	vld [tilespmem:s21+$0xC540]  }
0x247: {  	s20 =	sadd.s32 $0x400, s20;
	s8 =	sshll.u32 s22, $0x4;
	p1 =	slt.u32 s22, $0x3F8;
	[tilespmem:s21+$0x510] =	vst v17;
	v13 =	vadd.f32 v16, v13;
	v16 =	vld [tilespmem:s21+$0x550]  }
0x248: {  	s23 =	sand.u32 $0x1C00, s20;
	s24 =	sshll.u32 s22, $0x1;
	s8 =	sand.u32 $0x2000, s8;
	v17 =	vld [tilespmem:s21+$0xC550]  }
0x249: {  	s8 =	sor.u32 s23, s8;
	s23 =	sand.u32 $0x380, s24;
	[tilespmem:s21+$0x520] =	vst v13;
	v12 =	vadd.f32 v15, v12;
	v13 =	vld [tilespmem:s21+$0x560]  }
0x24a: {  	s8 =	sor.u32 s23, s8;
	v15 =	vld [tilespmem:s21+$0xC560]  }
0x24b: {  	v19 =	vld [tilespmem:s8+$0x570];
	[tilespmem:s21+$0x530] =	vst v12;
	v12 =	vadd.f32 v18, v14  }
0x24c: {  	v14 =	vld [tilespmem:s8+$0xC570]  }
0x24d: {  	v18 =	vld [tilespmem:s8+$0x500];
	[tilespmem:s21+$0x540] =	vst v12;
	v12 =	vadd.f32 v17, v16  }
0x24e: {  	v17 =	vld [tilespmem:s8+$0xC500]  }
0x24f: {  	v20 =	vld [tilespmem:s8+$0x510];
	[tilespmem:s21+$0x550] =	vst v12;
	v12 =	vadd.f32 v15, v13  }
0x250: {  	v21 =	vld [tilespmem:s8+$0xC510]  }
.Ltmp6:
0x251: {  	v13 =	vld [tilespmem:s8+$0x520];
	v14 =	vadd.f32 v14, v19;
	[tilespmem:s21+$0x560] =	vst v12;
	s21 =	smov.u32 s8;
	(pc) =	sbr.rel @p1 .LBB2_14-.Ltmp6, $4  }
0x252: {  	v16 =	vld [tilespmem:s21+$0xC520]  }
0x253: {  	v17 =	vadd.f32 v17, v18;
	v12 =	vld [tilespmem:s21+$0x530];
	[tilespmem:s21+$0x570] =	vst v14  }
0x254: {  	v15 =	vld [tilespmem:s21+$0xC530]  }
0x255: {  	[tilespmem:s21+$0x500] =	vst v17;
	v17 =	vadd.f32 v21, v20;
	v14 =	vld [tilespmem:s21+$0x540]  }
0x256: {  	v18 =	vld [tilespmem:s21+$0xC540]  }
0x257: {  	v19 =	vld [tilespmem:s21+$0x550]  }
0x258: {  	v20 =	vld [tilespmem:s21+$0xC550]  }
0x259: {  	v21 =	vld [tilespmem:s21+$0x560]  }
0x25a: {  	v22 =	vld [tilespmem:s21+$0xC560]  }
0x25b: {  	v13 =	vadd.f32 v16, v13  }
0x25c: {  	[tilespmem:s21+$0x510] =	vst v17;
	v12 =	vadd.f32 v15, v12  }
0x25d: {  	[tilespmem:s21+$0x520] =	vst v13;
	v13 =	vadd.f32 v18, v14  }
0x25e: {  	[tilespmem:s21+$0x530] =	vst v12;
	v12 =	vadd.f32 v20, v19  }
0x25f: {  	[tilespmem:s21+$0x540] =	vst v13;
	v13 =	vadd.f32 v22, v21  }
0x260: {  	[tilespmem:s21+$0x550] =	vst v12  }
0x261: {  	[tilespmem:s21+$0x560] =	vst v13  }
0x262: {  	v12 =	vld [tilespmem:$0x380];
	_ =	sdelay $0x4  }
0x263: {  	v13 =	vshll.u32 v12, $0x3  }
0x264: {  	v12 =	vand.u32 $0x7, v12;
	v13 =	vand.u32 $0xFFFFFFC0, v13  }
0x265: {  	v12 =	vor.u32 v12, v13  }
0x266: {  	v13 =	vperm.xlane v12, v9;
	_ =	sdelay $0x1  }
0x267: {  	v13 =	vadd.s32 v10, v13;
	_ =	sdelay $0x3  }
0x268: {  	s20 =	simm.s32 $0x0  }
0x269: {  	[hbm4b:s5+s20] =	stream.indirect_vreg.scatter [tilespmem:s3], [sflag:$0x7], $0x80, v13, vm0, $0xb8;
	[tilespmem:$0x1C900] =	vst v63  }
0x26a: {  	s8 =	simm.s32 $0xD00;
	v12 =	vperm.xlane v12, v11  }
0x26b: {  	[hbm4b:s16+s20] =	stream.indirect_vreg.scatter [tilespmem:s8], [sflag:$0x7], $0x80, v13, vm0, $0xb8;
	[tilespmem:$0x1C900] =	vst v63  }
0x26c: {  	s24 =	simm.s32 $0x1500;
	v12 =	vadd.s32 v10, v12  }
0x26d: {  	[hbm4b:s17+s20] =	stream.indirect_vreg.scatter [tilespmem:s24], [sflag:$0x7], $0x80, v13, vm0, $0xb8;
	[tilespmem:$0x1C900] =	vst v63  }
0x26e: {  	s21 =	simm.s32 $0x1D00  }
0x26f: {  	[hbm4b:s18+s20] =	stream.indirect_vreg.scatter [tilespmem:s21], [sflag:$0x7], $0x80, v13, vm0, $0xb8;
	[tilespmem:$0x1C900] =	vst v63  }
0x270: {  	s22 =	simm.s32 $0x2500  }
0x271: {  	[hbm4b:s5+s20] =	stream.indirect_vreg.scatter [tilespmem:s22], [sflag:$0x7], $0x80, v12, vm0, $0xb8;
	[tilespmem:$0x1C900] =	vst v63  }
0x272: {  	s23 =	simm.s32 $0x2D00  }
0x273: {  	[hbm4b:s16+s20] =	stream.indirect_vreg.scatter [tilespmem:s23], [sflag:$0x7], $0x80, v12, vm0, $0xb8;
	[tilespmem:$0x1C900] =	vst v63  }
0x274: {  	s24 =	simm.s32 $0x3500  }
0x275: {  	[hbm4b:s17+s20] =	stream.indirect_vreg.scatter [tilespmem:s24], [sflag:$0x7], $0x80, v12, vm0, $0xb8;
	[tilespmem:$0x1C900] =	vst v63  }
0x276: {  	s21 =	simm.s32 $0x3D00  }
0x277: {  	[hbm4b:s18+s20] =	stream.indirect_vreg.scatter [tilespmem:s21], [sflag:$0x7], $0x80, v12, vm0, $0xb8;
	[tilespmem:$0x1C900] =	vst v63  }
0x278: {  	_ =	swait.ge [sflag:s31], $0x4000  }
0x279: {  	[sflag:s31] =	ssyncset.done $0x0  }
0x27a: {  	[sflag:s31] =	ssyncadd.s32 $0xFFFFC000  }
0x27b: {  	v12 =	vld [tilespmem:$0x50];
	_ =	sdelay $0x4  }
0x27c: {  	v13 =	vadd.s32 v0, v12  }
0x27d: {  	[tilespmem:$0x180] =	vst v13  }
0x27e: {  	v13 =	vld [tilespmem:$0x180];
	_ =	sdelay $0x4  }
0x27f: {  	v14 =	vshll.u32 v13, $0x3  }
0x280: {  	v13 =	vand.u32 $0x7, v13;
	v14 =	vand.u32 $0xFFFFFFC0, v14  }
0x281: {  	v13 =	vor.u32 v13, v14  }
0x282: {  	v14 =	vperm.xlane v13, v9;
	_ =	sdelay $0x1  }
0x283: {  	v14 =	vadd.s32 v10, v14;
	_ =	sdelay $0x2  }
0x284: {  	[tilespmem:$0x480] =	vst v6;
	v12 =	vadd.s32 $0x1, v12  }
0x285: {  	s22 =	simm.s32 $0x8500;
	[tilespmem:$0x300] =	vst v12  }
0x286: {  	[tilespmem:s22], [sflag:$0x3] =	stream.indirect_vreg.gather [hbm4b:s1+s20], $0x80, v14, vm0, $0xb8;
	[tilespmem:$0x1C900] =	vst v63  }
0x287: {  	s23 =	simm.s32 $0x8D00;
	v12 =	vperm.xlane v13, v11  }
0x288: {  	[tilespmem:s23], [sflag:$0x3] =	stream.indirect_vreg.gather [hbm4b:s9+s20], $0x80, v14, vm0, $0xb8;
	[tilespmem:$0x1C900] =	vst v63  }
0x289: {  	s24 =	simm.s32 $0x9500;
	v12 =	vadd.s32 v10, v12  }
0x28a: {  	[tilespmem:s24], [sflag:$0x3] =	stream.indirect_vreg.gather [hbm4b:s10+s20], $0x80, v14, vm0, $0xb8;
	[tilespmem:$0x1C900] =	vst v63  }
0x28b: {  	s21 =	simm.s32 $0x9D00  }
0x28c: {  	[tilespmem:s21], [sflag:$0x3] =	stream.indirect_vreg.gather [hbm4b:s11+s20], $0x80, v14, vm0, $0xb8;
	[tilespmem:$0x1C900] =	vst v63  }
0x28d: {  	s22 =	simm.s32 $0xA500  }
0x28e: {  	[tilespmem:s22], [sflag:$0x3] =	stream.indirect_vreg.gather [hbm4b:s1+s20], $0x80, v12, vm0, $0xb8;
	[tilespmem:$0x1C900] =	vst v63  }
0x28f: {  	s23 =	simm.s32 $0xAD00  }
0x290: {  	[tilespmem:s23], [sflag:$0x3] =	stream.indirect_vreg.gather [hbm4b:s9+s20], $0x80, v12, vm0, $0xb8;
	[tilespmem:$0x1C900] =	vst v63  }
0x291: {  	s24 =	simm.s32 $0xB500  }
0x292: {  	[tilespmem:s24], [sflag:$0x3] =	stream.indirect_vreg.gather [hbm4b:s10+s20], $0x80, v12, vm0, $0xb8;
	[tilespmem:$0x1C900] =	vst v63  }
0x293: {  	s21 =	simm.s32 $0xBD00  }
0x294: {  	[tilespmem:s21], [sflag:$0x3] =	stream.indirect_vreg.gather [hbm4b:s11+s20], $0x80, v12, vm0, $0xb8;
	[tilespmem:$0x1C900] =	vst v63  }
0x295: {  	v12 =	vld [tilespmem:$0x300];
	_ =	sdelay $0x4  }
0x296: {  	v13 =	vshll.u32 v12, $0x3  }
0x297: {  	v12 =	vand.u32 $0x7, v12;
	v13 =	vand.u32 $0xFFFFFFC0, v13  }
0x298: {  	v12 =	vor.u32 v12, v13  }
0x299: {  	v13 =	vperm.xlane v12, v9;
	_ =	sdelay $0x1  }
0x29a: {  	v13 =	vadd.s32 v10, v13;
	_ =	sdelay $0x3  }
0x29b: {  	s22 =	simm.s32 $0x14500  }
0x29c: {  	[tilespmem:s22], [sflag:$0x6] =	stream.indirect_vreg.gather [hbm4b:s2+s20], $0x80, v13, vm0, $0xb8;
	[tilespmem:$0x1C900] =	vst v63  }
0x29d: {  	s23 =	simm.s32 $0x14D00;
	v12 =	vperm.xlane v12, v11  }
0x29e: {  	[tilespmem:s23], [sflag:$0x6] =	stream.indirect_vreg.gather [hbm4b:s12+s20], $0x80, v13, vm0, $0xb8;
	[tilespmem:$0x1C900] =	vst v63  }
0x29f: {  	s24 =	simm.s32 $0x15500;
	v12 =	vadd.s32 v10, v12  }
0x2a0: {  	[tilespmem:s24], [sflag:$0x6] =	stream.indirect_vreg.gather [hbm4b:s13+s20], $0x80, v13, vm0, $0xb8;
	[tilespmem:$0x1C900] =	vst v63  }
0x2a1: {  	s21 =	simm.s32 $0x15D00  }
0x2a2: {  	[tilespmem:s21], [sflag:$0x6] =	stream.indirect_vreg.gather [hbm4b:s14+s20], $0x80, v13, vm0, $0xb8;
	[tilespmem:$0x1C900] =	vst v63  }
0x2a3: {  	s22 =	simm.s32 $0x16500  }
0x2a4: {  	[tilespmem:s22], [sflag:$0x6] =	stream.indirect_vreg.gather [hbm4b:s2+s20], $0x80, v12, vm0, $0xb8;
	[tilespmem:$0x1C900] =	vst v63  }
0x2a5: {  	s23 =	simm.s32 $0x16D00  }
0x2a6: {  	[tilespmem:s23], [sflag:$0x6] =	stream.indirect_vreg.gather [hbm4b:s12+s20], $0x80, v12, vm0, $0xb8;
	[tilespmem:$0x1C900] =	vst v63  }
0x2a7: {  	s24 =	simm.s32 $0x17500  }
0x2a8: {  	[tilespmem:s24], [sflag:$0x6] =	stream.indirect_vreg.gather [hbm4b:s13+s20], $0x80, v12, vm0, $0xb8;
	[tilespmem:$0x1C900] =	vst v63  }
0x2a9: {  	s21 =	simm.s32 $0x17D00  }
0x2aa: {  	[tilespmem:s21], [sflag:$0x6] =	stream.indirect_vreg.gather [hbm4b:s14+s20], $0x80, v12, vm0, $0xb8;
	[tilespmem:$0x1C900] =	vst v63  }
0x2ab: {  	_ =	swait.ge [sflag:s28], $0x4000  }
0x2ac: {  	s22 =	simm.s32 $0x0;
	[sflag:s28] =	ssyncset.done $0x0  }
0x2ad: {  	s8 =	sand.u32 $0x2000, s22;
	[sflag:s28] =	ssyncadd.s32 $0xFFFFC000  }
0x2ae: {  	s22 =	simm.s32 $0x0;
	s23 =	sand.u32 $0x1C00, s20;
	_ =	swait.ge [sflag:s29], $0x4000  }
0x2af: {  	s8 =	sor.u32 s23, s8;
	s24 =	sand.u32 $0x380, s22;
	[sflag:s29] =	ssyncset.done $0x0  }
0x2b0: {  	s21 =	sor.u32 s24, s8;
	[sflag:s29] =	ssyncadd.s32 $0xFFFFC000  }
0x2b1: {  	v12 =	vld [tilespmem:s21+$0x4570]  }
0x2b2: {  	v14 =	vld [tilespmem:s21+$0x10570]  }
0x2b3: {  	v15 =	vld [tilespmem:s21+$0x4500]  }
0x2b4: {  	v17 =	vld [tilespmem:s21+$0x10500]  }
0x2b5: {  	v18 =	vld [tilespmem:s21+$0x4510]  }
0x2b6: {  	v19 =	vld [tilespmem:s21+$0x10510]  }
0x2b7: {  	v13 =	vld [tilespmem:s21+$0x4520]  }
0x2b8: {  	v16 =	vld [tilespmem:s21+$0x10520];
	v14 =	vadd.f32 v14, v12  }
0x2b9: {  	v17 =	vadd.f32 v17, v15;
	v12 =	vld [tilespmem:s21+$0x4530]  }
0x2ba: {  	v15 =	vld [tilespmem:s21+$0x10530];
	[tilespmem:s21+$0x4570] =	vst v14  }
0x2bb: {  	s22 =	simm.s32 $0x0;
	[tilespmem:s21+$0x4500] =	vst v17;
	v17 =	vadd.f32 v19, v18;
	v14 =	vld [tilespmem:s21+$0x4540]  }
.LBB2_16:
0x2bc: {  	s22 =	sadd.s32 $0x8, s22;
	v18 =	vld [tilespmem:s21+$0x10540]  }
0x2bd: {  	s20 =	sadd.s32 $0x400, s20;
	s8 =	sshll.u32 s22, $0x4;
	p1 =	slt.u32 s22, $0x3F8;
	[tilespmem:s21+$0x4510] =	vst v17;
	v13 =	vadd.f32 v16, v13;
	v16 =	vld [tilespmem:s21+$0x4550]  }
0x2be: {  	s23 =	sand.u32 $0x1C00, s20;
	s24 =	sshll.u32 s22, $0x1;
	s8 =	sand.u32 $0x2000, s8;
	v17 =	vld [tilespmem:s21+$0x10550]  }
0x2bf: {  	s8 =	sor.u32 s23, s8;
	s23 =	sand.u32 $0x380, s24;
	[tilespmem:s21+$0x4520] =	vst v13;
	v12 =	vadd.f32 v15, v12;
	v13 =	vld [tilespmem:s21+$0x4560]  }
0x2c0: {  	s8 =	sor.u32 s23, s8;
	v15 =	vld [tilespmem:s21+$0x10560]  }
0x2c1: {  	v19 =	vld [tilespmem:s8+$0x4570];
	[tilespmem:s21+$0x4530] =	vst v12;
	v12 =	vadd.f32 v18, v14  }
0x2c2: {  	v14 =	vld [tilespmem:s8+$0x10570]  }
0x2c3: {  	v18 =	vld [tilespmem:s8+$0x4500];
	[tilespmem:s21+$0x4540] =	vst v12;
	v12 =	vadd.f32 v17, v16  }
0x2c4: {  	v17 =	vld [tilespmem:s8+$0x10500]  }
0x2c5: {  	v20 =	vld [tilespmem:s8+$0x4510];
	[tilespmem:s21+$0x4550] =	vst v12;
	v12 =	vadd.f32 v15, v13  }
0x2c6: {  	v21 =	vld [tilespmem:s8+$0x10510]  }
.Ltmp7:
0x2c7: {  	v13 =	vld [tilespmem:s8+$0x4520];
	v14 =	vadd.f32 v14, v19;
	[tilespmem:s21+$0x4560] =	vst v12;
	s21 =	smov.u32 s8;
	(pc) =	sbr.rel @p1 .LBB2_16-.Ltmp7, $4  }
0x2c8: {  	v16 =	vld [tilespmem:s21+$0x10520]  }
0x2c9: {  	v17 =	vadd.f32 v17, v18;
	v12 =	vld [tilespmem:s21+$0x4530];
	[tilespmem:s21+$0x4570] =	vst v14  }
0x2ca: {  	v15 =	vld [tilespmem:s21+$0x10530]  }
0x2cb: {  	[tilespmem:s21+$0x4500] =	vst v17;
	v17 =	vadd.f32 v21, v20;
	v14 =	vld [tilespmem:s21+$0x4540]  }
0x2cc: {  	v18 =	vld [tilespmem:s21+$0x10540]  }
0x2cd: {  	v19 =	vld [tilespmem:s21+$0x4550]  }
0x2ce: {  	v20 =	vld [tilespmem:s21+$0x10550]  }
0x2cf: {  	v21 =	vld [tilespmem:s21+$0x4560]  }
0x2d0: {  	v22 =	vld [tilespmem:s21+$0x10560]  }
0x2d1: {  	v13 =	vadd.f32 v16, v13  }
0x2d2: {  	[tilespmem:s21+$0x4510] =	vst v17;
	v12 =	vadd.f32 v15, v12  }
0x2d3: {  	[tilespmem:s21+$0x4520] =	vst v13;
	v13 =	vadd.f32 v18, v14  }
0x2d4: {  	[tilespmem:s21+$0x4530] =	vst v12;
	v12 =	vadd.f32 v20, v19  }
0x2d5: {  	[tilespmem:s21+$0x4540] =	vst v13;
	v13 =	vadd.f32 v22, v21  }
0x2d6: {  	[tilespmem:s21+$0x4550] =	vst v12  }
0x2d7: {  	[tilespmem:s21+$0x4560] =	vst v13  }
0x2d8: {  	v12 =	vld [tilespmem:$0x400];
	_ =	sdelay $0x4  }
0x2d9: {  	v13 =	vshll.u32 v12, $0x3  }
0x2da: {  	v12 =	vand.u32 $0x7, v12;
	v13 =	vand.u32 $0xFFFFFFC0, v13  }
0x2db: {  	v12 =	vor.u32 v12, v13  }
0x2dc: {  	v13 =	vperm.xlane v12, v9;
	_ =	sdelay $0x1  }
0x2dd: {  	v13 =	vadd.s32 v10, v13;
	_ =	sdelay $0x3  }
0x2de: {  	s20 =	simm.s32 $0x0;
	s8 =	simm.s32 $0x4500  }
0x2df: {  	[hbm4b:s5+s20] =	stream.indirect_vreg.scatter [tilespmem:s8], [sflag:$0x8], $0x80, v13, vm0, $0xb8;
	[tilespmem:$0x1C900] =	vst v63  }
0x2e0: {  	s23 =	simm.s32 $0x4D00;
	v12 =	vperm.xlane v12, v11  }
0x2e1: {  	[hbm4b:s16+s20] =	stream.indirect_vreg.scatter [tilespmem:s23], [sflag:$0x8], $0x80, v13, vm0, $0xb8;
	[tilespmem:$0x1C900] =	vst v63  }
0x2e2: {  	s24 =	simm.s32 $0x5500;
	v12 =	vadd.s32 v10, v12  }
0x2e3: {  	[hbm4b:s17+s20] =	stream.indirect_vreg.scatter [tilespmem:s24], [sflag:$0x8], $0x80, v13, vm0, $0xb8;
	[tilespmem:$0x1C900] =	vst v63  }
0x2e4: {  	s21 =	simm.s32 $0x5D00  }
0x2e5: {  	[hbm4b:s18+s20] =	stream.indirect_vreg.scatter [tilespmem:s21], [sflag:$0x8], $0x80, v13, vm0, $0xb8;
	[tilespmem:$0x1C900] =	vst v63  }
0x2e6: {  	s22 =	simm.s32 $0x6500  }
0x2e7: {  	[hbm4b:s5+s20] =	stream.indirect_vreg.scatter [tilespmem:s22], [sflag:$0x8], $0x80, v12, vm0, $0xb8;
	[tilespmem:$0x1C900] =	vst v63  }
0x2e8: {  	s23 =	simm.s32 $0x6D00  }
0x2e9: {  	[hbm4b:s16+s20] =	stream.indirect_vreg.scatter [tilespmem:s23], [sflag:$0x8], $0x80, v12, vm0, $0xb8;
	[tilespmem:$0x1C900] =	vst v63  }
0x2ea: {  	s24 =	simm.s32 $0x7500  }
0x2eb: {  	[hbm4b:s17+s20] =	stream.indirect_vreg.scatter [tilespmem:s24], [sflag:$0x8], $0x80, v12, vm0, $0xb8;
	[tilespmem:$0x1C900] =	vst v63  }
0x2ec: {  	s21 =	simm.s32 $0x7D00  }
0x2ed: {  	[hbm4b:s18+s20] =	stream.indirect_vreg.scatter [tilespmem:s21], [sflag:$0x8], $0x80, v12, vm0, $0xb8;
	[tilespmem:$0x1C900] =	vst v63  }
0x2ee: {  	_ =	swait.ge [sflag:s30], $0x4000  }
0x2ef: {  	[sflag:s30] =	ssyncset.done $0x0  }
0x2f0: {  	[sflag:s30] =	ssyncadd.s32 $0xFFFFC000  }
0x2f1: {  	v12 =	vld [tilespmem:$0x60];
	_ =	sdelay $0x4  }
0x2f2: {  	v13 =	vadd.s32 v0, v12  }
0x2f3: {  	[tilespmem:$0x80] =	vst v13  }
0x2f4: {  	v13 =	vld [tilespmem:$0x80];
	_ =	sdelay $0x4  }
0x2f5: {  	v14 =	vshll.u32 v13, $0x3  }
0x2f6: {  	v13 =	vand.u32 $0x7, v13;
	v14 =	vand.u32 $0xFFFFFFC0, v14  }
0x2f7: {  	v13 =	vor.u32 v13, v14  }
0x2f8: {  	v14 =	vperm.xlane v13, v9;
	_ =	sdelay $0x1  }
0x2f9: {  	v14 =	vadd.s32 v10, v14;
	_ =	sdelay $0x2  }
0x2fa: {  	[tilespmem:$0x380] =	vst v7;
	v12 =	vadd.s32 $0x1, v12  }
0x2fb: {  	[tilespmem:$0x200] =	vst v12  }
0x2fc: {  	[tilespmem:s3], [sflag:$0x1] =	stream.indirect_vreg.gather [hbm4b:s1+s20], $0x80, v14, vm0, $0xb8;
	[tilespmem:$0x1C900] =	vst v63  }
0x2fd: {  	s22 =	simm.s32 $0xD00;
	v12 =	vperm.xlane v13, v11  }
0x2fe: {  	[tilespmem:s22], [sflag:$0x1] =	stream.indirect_vreg.gather [hbm4b:s9+s20], $0x80, v14, vm0, $0xb8;
	[tilespmem:$0x1C900] =	vst v63  }
0x2ff: {  	s23 =	simm.s32 $0x1500;
	v12 =	vadd.s32 v10, v12  }
0x300: {  	[tilespmem:s23], [sflag:$0x1] =	stream.indirect_vreg.gather [hbm4b:s10+s20], $0x80, v14, vm0, $0xb8;
	[tilespmem:$0x1C900] =	vst v63  }
0x301: {  	s24 =	simm.s32 $0x1D00  }
0x302: {  	[tilespmem:s24], [sflag:$0x1] =	stream.indirect_vreg.gather [hbm4b:s11+s20], $0x80, v14, vm0, $0xb8;
	[tilespmem:$0x1C900] =	vst v63  }
0x303: {  	s21 =	simm.s32 $0x2500  }
0x304: {  	[tilespmem:s21], [sflag:$0x1] =	stream.indirect_vreg.gather [hbm4b:s1+s20], $0x80, v12, vm0, $0xb8;
	[tilespmem:$0x1C900] =	vst v63  }
0x305: {  	s22 =	simm.s32 $0x2D00  }
0x306: {  	[tilespmem:s22], [sflag:$0x1] =	stream.indirect_vreg.gather [hbm4b:s9+s20], $0x80, v12, vm0, $0xb8;
	[tilespmem:$0x1C900] =	vst v63  }
0x307: {  	s23 =	simm.s32 $0x3500  }
0x308: {  	[tilespmem:s23], [sflag:$0x1] =	stream.indirect_vreg.gather [hbm4b:s10+s20], $0x80, v12, vm0, $0xb8;
	[tilespmem:$0x1C900] =	vst v63  }
0x309: {  	s24 =	simm.s32 $0x3D00  }
0x30a: {  	[tilespmem:s24], [sflag:$0x1] =	stream.indirect_vreg.gather [hbm4b:s11+s20], $0x80, v12, vm0, $0xb8;
	[tilespmem:$0x1C900] =	vst v63  }
0x30b: {  	v12 =	vld [tilespmem:$0x200];
	_ =	sdelay $0x4  }
0x30c: {  	v13 =	vshll.u32 v12, $0x3  }
0x30d: {  	v12 =	vand.u32 $0x7, v12;
	v13 =	vand.u32 $0xFFFFFFC0, v13  }
0x30e: {  	v12 =	vor.u32 v12, v13  }
0x30f: {  	v13 =	vperm.xlane v12, v9;
	_ =	sdelay $0x1  }
0x310: {  	v13 =	vadd.s32 v10, v13;
	_ =	sdelay $0x3  }
0x311: {  	s21 =	simm.s32 $0xC500  }
0x312: {  	[tilespmem:s21], [sflag:$0x4] =	stream.indirect_vreg.gather [hbm4b:s2+s20], $0x80, v13, vm0, $0xb8;
	[tilespmem:$0x1C900] =	vst v63  }
0x313: {  	s22 =	simm.s32 $0xCD00;
	v12 =	vperm.xlane v12, v11  }
0x314: {  	[tilespmem:s22], [sflag:$0x4] =	stream.indirect_vreg.gather [hbm4b:s12+s20], $0x80, v13, vm0, $0xb8;
	[tilespmem:$0x1C900] =	vst v63  }
0x315: {  	s23 =	simm.s32 $0xD500;
	v12 =	vadd.s32 v10, v12  }
0x316: {  	[tilespmem:s23], [sflag:$0x4] =	stream.indirect_vreg.gather [hbm4b:s13+s20], $0x80, v13, vm0, $0xb8;
	[tilespmem:$0x1C900] =	vst v63  }
0x317: {  	s24 =	simm.s32 $0xDD00  }
0x318: {  	[tilespmem:s24], [sflag:$0x4] =	stream.indirect_vreg.gather [hbm4b:s14+s20], $0x80, v13, vm0, $0xb8;
	[tilespmem:$0x1C900] =	vst v63  }
0x319: {  	s21 =	simm.s32 $0xE500  }
0x31a: {  	[tilespmem:s21], [sflag:$0x4] =	stream.indirect_vreg.gather [hbm4b:s2+s20], $0x80, v12, vm0, $0xb8;
	[tilespmem:$0x1C900] =	vst v63  }
0x31b: {  	s22 =	simm.s32 $0xED00  }
0x31c: {  	[tilespmem:s22], [sflag:$0x4] =	stream.indirect_vreg.gather [hbm4b:s12+s20], $0x80, v12, vm0, $0xb8;
	[tilespmem:$0x1C900] =	vst v63  }
0x31d: {  	s23 =	simm.s32 $0xF500  }
0x31e: {  	[tilespmem:s23], [sflag:$0x4] =	stream.indirect_vreg.gather [hbm4b:s13+s20], $0x80, v12, vm0, $0xb8;
	[tilespmem:$0x1C900] =	vst v63  }
0x31f: {  	s24 =	simm.s32 $0xFD00;
	s21 =	simm.s32 $0x3  }
0x320: {  	[tilespmem:s24], [sflag:$0x4] =	stream.indirect_vreg.gather [hbm4b:s14+s20], $0x80, v12, vm0, $0xb8;
	[tilespmem:$0x1C900] =	vst v63  }
0x321: {  	_ =	swait.ge [sflag:s21], $0x4000  }
0x322: {  	s22 =	simm.s32 $0x0;
	[sflag:s21] =	ssyncset.done $0x0  }
0x323: {  	s8 =	sand.u32 $0x2000, s22;
	[sflag:s21] =	ssyncadd.s32 $0xFFFFC000  }
0x324: {  	s22 =	simm.s32 $0x0;
	s23 =	sand.u32 $0x1C00, s20;
	_ =	swait.ge [sflag:s0], $0x4000  }
0x325: {  	s8 =	sor.u32 s23, s8;
	s24 =	sand.u32 $0x380, s22;
	[sflag:s0] =	ssyncset.done $0x0  }
0x326: {  	s21 =	sor.u32 s24, s8;
	[sflag:s0] =	ssyncadd.s32 $0xFFFFC000  }
0x327: {  	v12 =	vld [tilespmem:s21+$0x8570]  }
0x328: {  	v14 =	vld [tilespmem:s21+$0x14570]  }
0x329: {  	v15 =	vld [tilespmem:s21+$0x8500]  }
0x32a: {  	v17 =	vld [tilespmem:s21+$0x14500]  }
0x32b: {  	v18 =	vld [tilespmem:s21+$0x8510]  }
0x32c: {  	v19 =	vld [tilespmem:s21+$0x14510]  }
0x32d: {  	v13 =	vld [tilespmem:s21+$0x8520]  }
0x32e: {  	v16 =	vld [tilespmem:s21+$0x14520];
	v14 =	vadd.f32 v14, v12  }
0x32f: {  	v17 =	vadd.f32 v17, v15;
	v12 =	vld [tilespmem:s21+$0x8530]  }
0x330: {  	v15 =	vld [tilespmem:s21+$0x14530];
	[tilespmem:s21+$0x8570] =	vst v14  }
0x331: {  	s22 =	simm.s32 $0x0;
	[tilespmem:s21+$0x8500] =	vst v17;
	v17 =	vadd.f32 v19, v18;
	v14 =	vld [tilespmem:s21+$0x8540]  }
.LBB2_18:
0x332: {  	s22 =	sadd.s32 $0x8, s22;
	v18 =	vld [tilespmem:s21+$0x14540]  }
0x333: {  	s20 =	sadd.s32 $0x400, s20;
	s8 =	sshll.u32 s22, $0x4;
	p1 =	slt.u32 s22, $0x3F8;
	[tilespmem:s21+$0x8510] =	vst v17;
	v13 =	vadd.f32 v16, v13;
	v16 =	vld [tilespmem:s21+$0x8550]  }
0x334: {  	s23 =	sand.u32 $0x1C00, s20;
	s24 =	sshll.u32 s22, $0x1;
	s8 =	sand.u32 $0x2000, s8;
	v17 =	vld [tilespmem:s21+$0x14550]  }
0x335: {  	s8 =	sor.u32 s23, s8;
	s23 =	sand.u32 $0x380, s24;
	[tilespmem:s21+$0x8520] =	vst v13;
	v12 =	vadd.f32 v15, v12;
	v13 =	vld [tilespmem:s21+$0x8560]  }
0x336: {  	s8 =	sor.u32 s23, s8;
	v15 =	vld [tilespmem:s21+$0x14560]  }
0x337: {  	v19 =	vld [tilespmem:s8+$0x8570];
	[tilespmem:s21+$0x8530] =	vst v12;
	v12 =	vadd.f32 v18, v14  }
0x338: {  	v14 =	vld [tilespmem:s8+$0x14570]  }
0x339: {  	v18 =	vld [tilespmem:s8+$0x8500];
	[tilespmem:s21+$0x8540] =	vst v12;
	v12 =	vadd.f32 v17, v16  }
0x33a: {  	v17 =	vld [tilespmem:s8+$0x14500]  }
0x33b: {  	v20 =	vld [tilespmem:s8+$0x8510];
	[tilespmem:s21+$0x8550] =	vst v12;
	v12 =	vadd.f32 v15, v13  }
0x33c: {  	v21 =	vld [tilespmem:s8+$0x14510]  }
.Ltmp8:
0x33d: {  	v13 =	vld [tilespmem:s8+$0x8520];
	v14 =	vadd.f32 v14, v19;
	[tilespmem:s21+$0x8560] =	vst v12;
	s21 =	smov.u32 s8;
	(pc) =	sbr.rel @p1 .LBB2_18-.Ltmp8, $4  }
0x33e: {  	v16 =	vld [tilespmem:s21+$0x14520]  }
0x33f: {  	v17 =	vadd.f32 v17, v18;
	v12 =	vld [tilespmem:s21+$0x8530];
	[tilespmem:s21+$0x8570] =	vst v14  }
0x340: {  	v15 =	vld [tilespmem:s21+$0x14530]  }
0x341: {  	[tilespmem:s21+$0x8500] =	vst v17;
	v17 =	vadd.f32 v21, v20;
	v14 =	vld [tilespmem:s21+$0x8540]  }
0x342: {  	v18 =	vld [tilespmem:s21+$0x14540]  }
0x343: {  	v19 =	vld [tilespmem:s21+$0x8550]  }
0x344: {  	v20 =	vld [tilespmem:s21+$0x14550]  }
0x345: {  	v21 =	vld [tilespmem:s21+$0x8560]  }
0x346: {  	v22 =	vld [tilespmem:s21+$0x14560]  }
0x347: {  	v13 =	vadd.f32 v16, v13  }
0x348: {  	[tilespmem:s21+$0x8510] =	vst v17;
	v12 =	vadd.f32 v15, v12  }
0x349: {  	[tilespmem:s21+$0x8520] =	vst v13;
	v13 =	vadd.f32 v18, v14  }
0x34a: {  	[tilespmem:s21+$0x8530] =	vst v12;
	v12 =	vadd.f32 v20, v19  }
0x34b: {  	[tilespmem:s21+$0x8540] =	vst v13;
	v13 =	vadd.f32 v22, v21  }
0x34c: {  	[tilespmem:s21+$0x8550] =	vst v12  }
0x34d: {  	[tilespmem:s21+$0x8560] =	vst v13  }
0x34e: {  	v12 =	vld [tilespmem:$0x480];
	_ =	sdelay $0x4  }
0x34f: {  	v13 =	vshll.u32 v12, $0x3  }
0x350: {  	v12 =	vand.u32 $0x7, v12;
	v13 =	vand.u32 $0xFFFFFFC0, v13  }
0x351: {  	v12 =	vor.u32 v12, v13  }
0x352: {  	v13 =	vperm.xlane v12, v9;
	_ =	sdelay $0x1  }
0x353: {  	v13 =	vadd.s32 v10, v13;
	_ =	sdelay $0x3  }
0x354: {  	s20 =	simm.s32 $0x0;
	s8 =	simm.s32 $0x8500  }
0x355: {  	[hbm4b:s5+s20] =	stream.indirect_vreg.scatter [tilespmem:s8], [sflag:$0x9], $0x80, v13, vm0, $0xb8;
	[tilespmem:$0x1C900] =	vst v63  }
0x356: {  	s23 =	simm.s32 $0x8D00;
	v12 =	vperm.xlane v12, v11  }
0x357: {  	[hbm4b:s16+s20] =	stream.indirect_vreg.scatter [tilespmem:s23], [sflag:$0x9], $0x80, v13, vm0, $0xb8;
	[tilespmem:$0x1C900] =	vst v63  }
0x358: {  	s24 =	simm.s32 $0x9500;
	v12 =	vadd.s32 v10, v12  }
0x359: {  	[hbm4b:s17+s20] =	stream.indirect_vreg.scatter [tilespmem:s24], [sflag:$0x9], $0x80, v13, vm0, $0xb8;
	[tilespmem:$0x1C900] =	vst v63  }
0x35a: {  	s21 =	simm.s32 $0x9D00  }
0x35b: {  	[hbm4b:s18+s20] =	stream.indirect_vreg.scatter [tilespmem:s21], [sflag:$0x9], $0x80, v13, vm0, $0xb8;
	[tilespmem:$0x1C900] =	vst v63  }
0x35c: {  	s22 =	simm.s32 $0xA500  }
0x35d: {  	[hbm4b:s5+s20] =	stream.indirect_vreg.scatter [tilespmem:s22], [sflag:$0x9], $0x80, v12, vm0, $0xb8;
	[tilespmem:$0x1C900] =	vst v63  }
0x35e: {  	s23 =	simm.s32 $0xAD00  }
0x35f: {  	[hbm4b:s16+s20] =	stream.indirect_vreg.scatter [tilespmem:s23], [sflag:$0x9], $0x80, v12, vm0, $0xb8;
	[tilespmem:$0x1C900] =	vst v63  }
0x360: {  	s24 =	simm.s32 $0xB500  }
0x361: {  	[hbm4b:s17+s20] =	stream.indirect_vreg.scatter [tilespmem:s24], [sflag:$0x9], $0x80, v12, vm0, $0xb8;
	[tilespmem:$0x1C900] =	vst v63  }
0x362: {  	s21 =	simm.s32 $0xBD00  }
0x363: {  	[hbm4b:s18+s20] =	stream.indirect_vreg.scatter [tilespmem:s21], [sflag:$0x9], $0x80, v12, vm0, $0xb8;
	[tilespmem:$0x1C900] =	vst v63  }
0x364: {  	_ =	swait.ge [sflag:s4], $0x4000  }
0x365: {  	[sflag:s4] =	ssyncset.done $0x0  }
0x366: {  	[sflag:s4] =	ssyncadd.s32 $0xFFFFC000  }
0x367: {  	v12 =	vld [tilespmem:$0x70];
	_ =	sdelay $0x4  }
0x368: {  	v13 =	vadd.s32 v0, v12  }
0x369: {  	[tilespmem:$0x100] =	vst v13  }
0x36a: {  	v13 =	vld [tilespmem:$0x100];
	_ =	sdelay $0x4  }
0x36b: {  	v14 =	vshll.u32 v13, $0x3  }
0x36c: {  	v13 =	vand.u32 $0x7, v13;
	v14 =	vand.u32 $0xFFFFFFC0, v14  }
0x36d: {  	v13 =	vor.u32 v13, v14  }
0x36e: {  	v14 =	vperm.xlane v13, v9;
	_ =	sdelay $0x1  }
0x36f: {  	v14 =	vadd.s32 v10, v14;
	_ =	sdelay $0x2  }
0x370: {  	[tilespmem:$0x400] =	vst v8;
	v12 =	vadd.s32 $0x1, v12  }
0x371: {  	s22 =	simm.s32 $0x4500;
	[tilespmem:$0x280] =	vst v12  }
0x372: {  	[tilespmem:s22], [sflag:$0x2] =	stream.indirect_vreg.gather [hbm4b:s1+s20], $0x80, v14, vm0, $0xb8;
	[tilespmem:$0x1C900] =	vst v63  }
0x373: {  	s23 =	simm.s32 $0x4D00;
	v12 =	vperm.xlane v13, v11  }
0x374: {  	[tilespmem:s23], [sflag:$0x2] =	stream.indirect_vreg.gather [hbm4b:s9+s20], $0x80, v14, vm0, $0xb8;
	[tilespmem:$0x1C900] =	vst v63  }
0x375: {  	s24 =	simm.s32 $0x5500;
	v12 =	vadd.s32 v10, v12  }
0x376: {  	[tilespmem:s24], [sflag:$0x2] =	stream.indirect_vreg.gather [hbm4b:s10+s20], $0x80, v14, vm0, $0xb8;
	[tilespmem:$0x1C900] =	vst v63  }
0x377: {  	s21 =	simm.s32 $0x5D00  }
0x378: {  	[tilespmem:s21], [sflag:$0x2] =	stream.indirect_vreg.gather [hbm4b:s11+s20], $0x80, v14, vm0, $0xb8;
	[tilespmem:$0x1C900] =	vst v63  }
0x379: {  	s22 =	simm.s32 $0x6500  }
0x37a: {  	[tilespmem:s22], [sflag:$0x2] =	stream.indirect_vreg.gather [hbm4b:s1+s20], $0x80, v12, vm0, $0xb8;
	[tilespmem:$0x1C900] =	vst v63  }
0x37b: {  	s23 =	simm.s32 $0x6D00  }
0x37c: {  	[tilespmem:s23], [sflag:$0x2] =	stream.indirect_vreg.gather [hbm4b:s9+s20], $0x80, v12, vm0, $0xb8;
	[tilespmem:$0x1C900] =	vst v63  }
0x37d: {  	s24 =	simm.s32 $0x7500  }
0x37e: {  	[tilespmem:s24], [sflag:$0x2] =	stream.indirect_vreg.gather [hbm4b:s10+s20], $0x80, v12, vm0, $0xb8;
	[tilespmem:$0x1C900] =	vst v63  }
0x37f: {  	s21 =	simm.s32 $0x7D00  }
0x380: {  	[tilespmem:s21], [sflag:$0x2] =	stream.indirect_vreg.gather [hbm4b:s11+s20], $0x80, v12, vm0, $0xb8;
	[tilespmem:$0x1C900] =	vst v63  }
0x381: {  	v12 =	vld [tilespmem:$0x280];
	_ =	sdelay $0x4  }
0x382: {  	v13 =	vshll.u32 v12, $0x3  }
0x383: {  	v12 =	vand.u32 $0x7, v12;
	v13 =	vand.u32 $0xFFFFFFC0, v13  }
0x384: {  	v12 =	vor.u32 v12, v13  }
0x385: {  	v13 =	vperm.xlane v12, v9;
	_ =	sdelay $0x1  }
0x386: {  	v13 =	vadd.s32 v10, v13;
	_ =	sdelay $0x3  }
0x387: {  	s22 =	simm.s32 $0x10500  }
0x388: {  	[tilespmem:s22], [sflag:$0x5] =	stream.indirect_vreg.gather [hbm4b:s2+s20], $0x80, v13, vm0, $0xb8;
	[tilespmem:$0x1C900] =	vst v63  }
0x389: {  	s23 =	simm.s32 $0x10D00;
	v12 =	vperm.xlane v12, v11  }
0x38a: {  	[tilespmem:s23], [sflag:$0x5] =	stream.indirect_vreg.gather [hbm4b:s12+s20], $0x80, v13, vm0, $0xb8;
	[tilespmem:$0x1C900] =	vst v63  }
0x38b: {  	s24 =	simm.s32 $0x11500;
	v12 =	vadd.s32 v10, v12  }
0x38c: {  	[tilespmem:s24], [sflag:$0x5] =	stream.indirect_vreg.gather [hbm4b:s13+s20], $0x80, v13, vm0, $0xb8;
	[tilespmem:$0x1C900] =	vst v63  }
0x38d: {  	s21 =	simm.s32 $0x11D00  }
0x38e: {  	[tilespmem:s21], [sflag:$0x5] =	stream.indirect_vreg.gather [hbm4b:s14+s20], $0x80, v13, vm0, $0xb8;
	[tilespmem:$0x1C900] =	vst v63  }
0x38f: {  	s22 =	simm.s32 $0x12500  }
0x390: {  	[tilespmem:s22], [sflag:$0x5] =	stream.indirect_vreg.gather [hbm4b:s2+s20], $0x80, v12, vm0, $0xb8;
	[tilespmem:$0x1C900] =	vst v63  }
0x391: {  	s23 =	simm.s32 $0x12D00  }
0x392: {  	[tilespmem:s23], [sflag:$0x5] =	stream.indirect_vreg.gather [hbm4b:s12+s20], $0x80, v12, vm0, $0xb8;
	[tilespmem:$0x1C900] =	vst v63  }
0x393: {  	s24 =	simm.s32 $0x13500  }
0x394: {  	[tilespmem:s24], [sflag:$0x5] =	stream.indirect_vreg.gather [hbm4b:s13+s20], $0x80, v12, vm0, $0xb8;
	[tilespmem:$0x1C900] =	vst v63  }
0x395: {  	s21 =	simm.s32 $0x13D00  }
0x396: {  	[tilespmem:s21], [sflag:$0x5] =	stream.indirect_vreg.gather [hbm4b:s14+s20], $0x80, v12, vm0, $0xb8;
	[tilespmem:$0x1C900] =	vst v63  }
0x397: {  	_ =	swait.ge [sflag:s7], $0x4000  }
0x398: {  	s22 =	simm.s32 $0x0;
	[sflag:s7] =	ssyncset.done $0x0  }
0x399: {  	s8 =	sand.u32 $0x2000, s22;
	[sflag:s7] =	ssyncadd.s32 $0xFFFFC000  }
0x39a: {  	s22 =	simm.s32 $0x0;
	s23 =	sand.u32 $0x1C00, s20;
	_ =	swait.ge [sflag:s26], $0x4000  }
0x39b: {  	s8 =	sor.u32 s23, s8;
	s24 =	sand.u32 $0x380, s22;
	[sflag:s26] =	ssyncset.done $0x0  }
0x39c: {  	s21 =	sor.u32 s24, s8;
	[sflag:s26] =	ssyncadd.s32 $0xFFFFC000  }
0x39d: {  	v12 =	vld [tilespmem:s21+$0x570]  }
0x39e: {  	v14 =	vld [tilespmem:s21+$0xC570]  }
0x39f: {  	v15 =	vld [tilespmem:s21+$0x500]  }
0x3a0: {  	v17 =	vld [tilespmem:s21+$0xC500]  }
0x3a1: {  	v18 =	vld [tilespmem:s21+$0x510]  }
0x3a2: {  	v19 =	vld [tilespmem:s21+$0xC510]  }
0x3a3: {  	v13 =	vld [tilespmem:s21+$0x520]  }
0x3a4: {  	v16 =	vld [tilespmem:s21+$0xC520];
	v14 =	vadd.f32 v14, v12  }
0x3a5: {  	v17 =	vadd.f32 v17, v15;
	v12 =	vld [tilespmem:s21+$0x530]  }
0x3a6: {  	v15 =	vld [tilespmem:s21+$0xC530];
	[tilespmem:s21+$0x570] =	vst v14  }
0x3a7: {  	s22 =	simm.s32 $0x0;
	[tilespmem:s21+$0x500] =	vst v17;
	v17 =	vadd.f32 v19, v18;
	v14 =	vld [tilespmem:s21+$0x540]  }
.LBB2_20:
0x3a8: {  	s22 =	sadd.s32 $0x8, s22;
	v18 =	vld [tilespmem:s21+$0xC540]  }
0x3a9: {  	s20 =	sadd.s32 $0x400, s20;
	s8 =	sshll.u32 s22, $0x4;
	p1 =	slt.u32 s22, $0x3F8;
	[tilespmem:s21+$0x510] =	vst v17;
	v13 =	vadd.f32 v16, v13;
	v16 =	vld [tilespmem:s21+$0x550]  }
0x3aa: {  	s23 =	sand.u32 $0x1C00, s20;
	s24 =	sshll.u32 s22, $0x1;
	s8 =	sand.u32 $0x2000, s8;
	v17 =	vld [tilespmem:s21+$0xC550]  }
0x3ab: {  	s8 =	sor.u32 s23, s8;
	s23 =	sand.u32 $0x380, s24;
	[tilespmem:s21+$0x520] =	vst v13;
	v12 =	vadd.f32 v15, v12;
	v13 =	vld [tilespmem:s21+$0x560]  }
0x3ac: {  	s8 =	sor.u32 s23, s8;
	v15 =	vld [tilespmem:s21+$0xC560]  }
0x3ad: {  	v19 =	vld [tilespmem:s8+$0x570];
	[tilespmem:s21+$0x530] =	vst v12;
	v12 =	vadd.f32 v18, v14  }
0x3ae: {  	v14 =	vld [tilespmem:s8+$0xC570]  }
0x3af: {  	v18 =	vld [tilespmem:s8+$0x500];
	[tilespmem:s21+$0x540] =	vst v12;
	v12 =	vadd.f32 v17, v16  }
0x3b0: {  	v17 =	vld [tilespmem:s8+$0xC500]  }
0x3b1: {  	v20 =	vld [tilespmem:s8+$0x510];
	[tilespmem:s21+$0x550] =	vst v12;
	v12 =	vadd.f32 v15, v13  }
0x3b2: {  	v21 =	vld [tilespmem:s8+$0xC510]  }
.Ltmp9:
0x3b3: {  	v13 =	vld [tilespmem:s8+$0x520];
	v14 =	vadd.f32 v14, v19;
	[tilespmem:s21+$0x560] =	vst v12;
	s21 =	smov.u32 s8;
	(pc) =	sbr.rel @p1 .LBB2_20-.Ltmp9, $4  }
0x3b4: {  	v16 =	vld [tilespmem:s21+$0xC520]  }
0x3b5: {  	v17 =	vadd.f32 v17, v18;
	v12 =	vld [tilespmem:s21+$0x530];
	[tilespmem:s21+$0x570] =	vst v14  }
0x3b6: {  	v15 =	vld [tilespmem:s21+$0xC530]  }
0x3b7: {  	[tilespmem:s21+$0x500] =	vst v17;
	v17 =	vadd.f32 v21, v20;
	v14 =	vld [tilespmem:s21+$0x540]  }
0x3b8: {  	v18 =	vld [tilespmem:s21+$0xC540]  }
0x3b9: {  	v19 =	vld [tilespmem:s21+$0x550]  }
0x3ba: {  	v20 =	vld [tilespmem:s21+$0xC550]  }
0x3bb: {  	v21 =	vld [tilespmem:s21+$0x560]  }
0x3bc: {  	v22 =	vld [tilespmem:s21+$0xC560]  }
0x3bd: {  	v13 =	vadd.f32 v16, v13  }
0x3be: {  	[tilespmem:s21+$0x510] =	vst v17;
	v12 =	vadd.f32 v15, v12  }
0x3bf: {  	[tilespmem:s21+$0x520] =	vst v13;
	v13 =	vadd.f32 v18, v14  }
0x3c0: {  	[tilespmem:s21+$0x530] =	vst v12;
	v12 =	vadd.f32 v20, v19  }
0x3c1: {  	[tilespmem:s21+$0x540] =	vst v13;
	v13 =	vadd.f32 v22, v21  }
0x3c2: {  	[tilespmem:s21+$0x550] =	vst v12  }
0x3c3: {  	[tilespmem:s21+$0x560] =	vst v13  }
0x3c4: {  	v12 =	vld [tilespmem:$0x380];
	_ =	sdelay $0x4  }
0x3c5: {  	v13 =	vshll.u32 v12, $0x3  }
0x3c6: {  	v12 =	vand.u32 $0x7, v12;
	v13 =	vand.u32 $0xFFFFFFC0, v13  }
0x3c7: {  	v12 =	vor.u32 v12, v13  }
0x3c8: {  	v13 =	vperm.xlane v12, v9;
	_ =	sdelay $0x1  }
0x3c9: {  	v13 =	vadd.s32 v10, v13;
	_ =	sdelay $0x3  }
0x3ca: {  	s20 =	simm.s32 $0x0  }
0x3cb: {  	[hbm4b:s5+s20] =	stream.indirect_vreg.scatter [tilespmem:s3], [sflag:$0x7], $0x80, v13, vm0, $0xb8;
	[tilespmem:$0x1C900] =	vst v63  }
0x3cc: {  	s21 =	simm.s32 $0xD00;
	v12 =	vperm.xlane v12, v11  }
0x3cd: {  	[hbm4b:s16+s20] =	stream.indirect_vreg.scatter [tilespmem:s21], [sflag:$0x7], $0x80, v13, vm0, $0xb8;
	[tilespmem:$0x1C900] =	vst v63  }
0x3ce: {  	s22 =	simm.s32 $0x1500;
	v12 =	vadd.s32 v10, v12  }
0x3cf: {  	[hbm4b:s17+s20] =	stream.indirect_vreg.scatter [tilespmem:s22], [sflag:$0x7], $0x80, v13, vm0, $0xb8;
	[tilespmem:$0x1C900] =	vst v63  }
0x3d0: {  	s23 =	simm.s32 $0x1D00  }
0x3d1: {  	[hbm4b:s18+s20] =	stream.indirect_vreg.scatter [tilespmem:s23], [sflag:$0x7], $0x80, v13, vm0, $0xb8;
	[tilespmem:$0x1C900] =	vst v63  }
0x3d2: {  	s24 =	simm.s32 $0x2500  }
0x3d3: {  	[hbm4b:s5+s20] =	stream.indirect_vreg.scatter [tilespmem:s24], [sflag:$0x7], $0x80, v12, vm0, $0xb8;
	[tilespmem:$0x1C900] =	vst v63  }
0x3d4: {  	s8 =	simm.s32 $0x2D00  }
0x3d5: {  	[hbm4b:s16+s20] =	stream.indirect_vreg.scatter [tilespmem:s8], [sflag:$0x7], $0x80, v12, vm0, $0xb8;
	[tilespmem:$0x1C900] =	vst v63  }
0x3d6: {  	s21 =	simm.s32 $0x3500  }
0x3d7: {  	[hbm4b:s17+s20] =	stream.indirect_vreg.scatter [tilespmem:s21], [sflag:$0x7], $0x80, v12, vm0, $0xb8;
	[tilespmem:$0x1C900] =	vst v63  }
0x3d8: {  	s22 =	simm.s32 $0x3D00  }
0x3d9: {  	[hbm4b:s18+s20] =	stream.indirect_vreg.scatter [tilespmem:s22], [sflag:$0x7], $0x80, v12, vm0, $0xb8;
	[tilespmem:$0x1C900] =	vst v63  }
0x3da: {  	_ =	swait.ge [sflag:s28], $0x4000  }
0x3db: {  	[sflag:s28] =	ssyncset.done $0x0  }
0x3dc: {  	s23 =	sand.u32 $0x1C00, s20;
	s8 =	simm.s32 $0x0;
	[sflag:s28] =	ssyncadd.s32 $0xFFFFC000  }
0x3dd: {  	s8 =	sand.u32 $0x2000, s8;
	s22 =	simm.s32 $0x0;
	_ =	swait.ge [sflag:s29], $0x4000  }
0x3de: {  	s8 =	sor.u32 s23, s8;
	s24 =	sand.u32 $0x380, s22;
	[sflag:s29] =	ssyncset.done $0x0  }
0x3df: {  	s21 =	sor.u32 s24, s8;
	[sflag:s29] =	ssyncadd.s32 $0xFFFFC000  }
0x3e0: {  	v12 =	vld [tilespmem:s21+$0x4570]  }
0x3e1: {  	v14 =	vld [tilespmem:s21+$0x10570]  }
0x3e2: {  	v15 =	vld [tilespmem:s21+$0x4500]  }
0x3e3: {  	v17 =	vld [tilespmem:s21+$0x10500]  }
0x3e4: {  	v18 =	vld [tilespmem:s21+$0x4510]  }
0x3e5: {  	v19 =	vld [tilespmem:s21+$0x10510]  }
0x3e6: {  	v13 =	vld [tilespmem:s21+$0x4520]  }
0x3e7: {  	v16 =	vld [tilespmem:s21+$0x10520];
	v14 =	vadd.f32 v14, v12  }
0x3e8: {  	v17 =	vadd.f32 v17, v15;
	v12 =	vld [tilespmem:s21+$0x4530]  }
0x3e9: {  	v15 =	vld [tilespmem:s21+$0x10530];
	[tilespmem:s21+$0x4570] =	vst v14  }
0x3ea: {  	s22 =	simm.s32 $0x0;
	[tilespmem:s21+$0x4500] =	vst v17;
	v17 =	vadd.f32 v19, v18;
	v14 =	vld [tilespmem:s21+$0x4540]  }
.LBB2_22:
0x3eb: {  	s22 =	sadd.s32 $0x8, s22;
	v18 =	vld [tilespmem:s21+$0x10540]  }
0x3ec: {  	s20 =	sadd.s32 $0x400, s20;
	s8 =	sshll.u32 s22, $0x4;
	p1 =	slt.u32 s22, $0x3F8;
	[tilespmem:s21+$0x4510] =	vst v17;
	v13 =	vadd.f32 v16, v13;
	v16 =	vld [tilespmem:s21+$0x4550]  }
0x3ed: {  	s23 =	sand.u32 $0x1C00, s20;
	s24 =	sshll.u32 s22, $0x1;
	s8 =	sand.u32 $0x2000, s8;
	v17 =	vld [tilespmem:s21+$0x10550]  }
0x3ee: {  	s8 =	sor.u32 s23, s8;
	s23 =	sand.u32 $0x380, s24;
	[tilespmem:s21+$0x4520] =	vst v13;
	v12 =	vadd.f32 v15, v12;
	v13 =	vld [tilespmem:s21+$0x4560]  }
0x3ef: {  	s8 =	sor.u32 s23, s8;
	v15 =	vld [tilespmem:s21+$0x10560]  }
0x3f0: {  	v19 =	vld [tilespmem:s8+$0x4570];
	[tilespmem:s21+$0x4530] =	vst v12;
	v12 =	vadd.f32 v18, v14  }
0x3f1: {  	v14 =	vld [tilespmem:s8+$0x10570]  }
0x3f2: {  	v18 =	vld [tilespmem:s8+$0x4500];
	[tilespmem:s21+$0x4540] =	vst v12;
	v12 =	vadd.f32 v17, v16  }
0x3f3: {  	v17 =	vld [tilespmem:s8+$0x10500]  }
0x3f4: {  	v20 =	vld [tilespmem:s8+$0x4510];
	[tilespmem:s21+$0x4550] =	vst v12;
	v12 =	vadd.f32 v15, v13  }
0x3f5: {  	v21 =	vld [tilespmem:s8+$0x10510]  }
.Ltmp10:
0x3f6: {  	v13 =	vld [tilespmem:s8+$0x4520];
	v14 =	vadd.f32 v14, v19;
	[tilespmem:s21+$0x4560] =	vst v12;
	s21 =	smov.u32 s8;
	(pc) =	sbr.rel @p1 .LBB2_22-.Ltmp10, $4  }
0x3f7: {  	v16 =	vld [tilespmem:s21+$0x10520]  }
0x3f8: {  	v17 =	vadd.f32 v17, v18;
	v12 =	vld [tilespmem:s21+$0x4530];
	[tilespmem:s21+$0x4570] =	vst v14  }
0x3f9: {  	v15 =	vld [tilespmem:s21+$0x10530]  }
0x3fa: {  	[tilespmem:s21+$0x4500] =	vst v17;
	v17 =	vadd.f32 v21, v20;
	v14 =	vld [tilespmem:s21+$0x4540]  }
0x3fb: {  	v18 =	vld [tilespmem:s21+$0x10540]  }
0x3fc: {  	v19 =	vld [tilespmem:s21+$0x4550]  }
0x3fd: {  	v20 =	vld [tilespmem:s21+$0x10550]  }
0x3fe: {  	v21 =	vld [tilespmem:s21+$0x4560]  }
0x3ff: {  	v22 =	vld [tilespmem:s21+$0x10560]  }
0x400: {  	v13 =	vadd.f32 v16, v13  }
0x401: {  	[tilespmem:s21+$0x4510] =	vst v17;
	v12 =	vadd.f32 v15, v12  }
0x402: {  	[tilespmem:s21+$0x4520] =	vst v13;
	v60 =	vadd.f32 v18, v14  }
0x403: {  	[tilespmem:s21+$0x4530] =	vst v12;
	v61 =	vadd.f32 v20, v19  }
0x404: {  	v62 =	vadd.f32 v22, v21;
	[tilespmem:s21+$0x4540] =	vst v60  }
0x405: {  	[tilespmem:s21+$0x4550] =	vst v61  }
0x406: {  	[tilespmem:s21+$0x4560] =	vst v62  }
0x407: {  	v12 =	vld [tilespmem:$0x400];
	_ =	sdelay $0x4  }
0x408: {  	v63 =	vshll.u32 v12, $0x3  }
0x409: {  	v12 =	vand.u32 $0x7, v12;
	v13 =	vand.u32 $0xFFFFFFC0, v63  }
0x40a: {  	v12 =	vor.u32 v12, v13  }
0x40b: {  	v13 =	vperm.xlane v12, v9;
	_ =	sdelay $0x1  }
0x40c: {  	v13 =	vadd.s32 v10, v13;
	_ =	sdelay $0x3  }
0x40d: {  	s3 =	simm.s32 $0x4500  }
0x40e: {  	[hbm4b:s5+s6] =	stream.indirect_vreg.scatter [tilespmem:s3], [sflag:$0x8], $0x80, v13, vm0, $0xb8;
	[tilespmem:$0x1C900] =	vst v63  }
0x40f: {  	s24 =	simm.s32 $0x4D00;
	v12 =	vperm.xlane v12, v11  }
0x410: {  	[hbm4b:s16+s6] =	stream.indirect_vreg.scatter [tilespmem:s24], [sflag:$0x8], $0x80, v13, vm0, $0xb8;
	[tilespmem:$0x1C900] =	vst v63  }
0x411: {  	s8 =	simm.s32 $0x5500;
	v12 =	vadd.s32 v10, v12  }
0x412: {  	[hbm4b:s17+s6] =	stream.indirect_vreg.scatter [tilespmem:s8], [sflag:$0x8], $0x80, v13, vm0, $0xb8;
	[tilespmem:$0x1C900] =	vst v63  }
0x413: {  	s20 =	simm.s32 $0x5D00  }
0x414: {  	[hbm4b:s18+s6] =	stream.indirect_vreg.scatter [tilespmem:s20], [sflag:$0x8], $0x80, v13, vm0, $0xb8;
	[tilespmem:$0x1C900] =	vst v63  }
0x415: {  	s21 =	simm.s32 $0x6500  }
0x416: {  	[hbm4b:s5+s6] =	stream.indirect_vreg.scatter [tilespmem:s21], [sflag:$0x8], $0x80, v12, vm0, $0xb8;
	[tilespmem:$0x1C900] =	vst v63  }
0x417: {  	s22 =	simm.s32 $0x6D00  }
0x418: {  	[hbm4b:s16+s6] =	stream.indirect_vreg.scatter [tilespmem:s22], [sflag:$0x8], $0x80, v12, vm0, $0xb8;
	[tilespmem:$0x1C900] =	vst v63  }
0x419: {  	s23 =	simm.s32 $0x7500  }
0x41a: {  	[hbm4b:s17+s6] =	stream.indirect_vreg.scatter [tilespmem:s23], [sflag:$0x8], $0x80, v12, vm0, $0xb8;
	[tilespmem:$0x1C900] =	vst v63  }
0x41b: {  	s24 =	simm.s32 $0x7D00  }
0x41c: {  	[hbm4b:s18+s6] =	stream.indirect_vreg.scatter [tilespmem:s24], [sflag:$0x8], $0x80, v12, vm0, $0xb8;
	[tilespmem:$0x1C900] =	vst v63  }
0x41d: {  	_ =	swait.ge [sflag:s31], $0x4000  }
0x41e: {  	[sflag:s31] =	ssyncset.done $0x0  }
0x41f: {  	[sflag:s31] =	ssyncadd.s32 $0xFFFFC000  }
0x420: {  	_ =	swait.ge [sflag:s30], $0x4000  }
0x421: {  	[sflag:s30] =	ssyncset.done $0x0  }
0x422: {  	s19 =	sadd.s32 $0x1, s19;
	[sflag:s30] =	ssyncadd.s32 $0xFFFFC000  }
0x423: {  	p1 =	sne.s32 s19, s15;
	_ =	swait.ge [sflag:s4], $0x4000  }
.Ltmp11:
0x424: {  	[sflag:s4] =	ssyncset.done $0x0;
	(pc) =	sbr.rel @p1 .LBB2_1-.Ltmp11, $4  }
0x425: {  	s8 =	simm.s32 @!p0 $0xA;
	[sflag:s4] =	ssyncadd.s32 $0xFFFFC000  }
0x426: {  	_ =	swait.ge @!p0 [sflag:s8], $0x4000  }
0x427: {  	[sflag:s8] =	ssyncset.done @!p0 $0x0  }
0x428: {  	[sflag:s8] =	ssyncadd.s32 @!p0 $0xFFFFC000  }
0x429: {  	_ =	sfence.sel $0x180000  }
0x42a: {  	[bflag:$0x0] =	sbarrier.arrive $0xFFFF  }
0x42b: {  	_ =	strace $0x90000047  }
0x42c: {  	s0 =	stileid.u32;
	[bflag:$0x2] =	sbarrier.arrive $0xFFFF  }
0x42d: {  	p0 =	sne.s32 s0, $0x0;
	s0 =	rddreg [dreg:$0x5]  }
0x42e: {  	s0 =	sadd.s32 @!p0 $0x100000, s0  }
0x42f: {  	[sflag:s0] =	ssyncadd.tile.s32 @!p0 $0x1;
	_ =	shalt  }
.Lfunc_end2:
_tile_overlayer_lowered:
.L_overlay_start_2:
0x430: {  	(tag) =	ssettag $0x2  }
0x431: {  	s0 =	rddreg [dreg:$0x0];
	s2 =	stileid.u32  }
0x432: {  	s1 =	rddreg [dreg:$0x1];
	p0 =	sne.s32 s2, $0x0  }
0x433: {  	s3 =	rddreg [dreg:$0x2];
	[bflag:$0x3] =	sbarrier.arrive $0xFFFF;
	s2 =	simm.s32 @!p0 $0x1C0B  }
0x434: {  	[timem:s3], [sflag:s2] =	dma.local @!p0 [hbm:s0], s1  }
0x435: {  	s0 =	simm.s32 @!p0 $0xB  }
0x436: {  	_ =	swait.ge @!p0 [sflag:s0], s1  }
0x437: {  	s1 =	ssub.s32 @!p0 $0x0, s1;
	[sflag:s0] =	ssyncset.done @!p0 $0x0  }
0x438: {  	[sflag:s0] =	ssyncadd.s32 @!p0 s1  }
0x439: {  	[bflag:$0x3] =	sbarrier.arrive $0xFFFF  }
0x43a: {  	_ =	shalt  }

</sc_bundles>
